<compile_context>
chip_gen: v7x
topology: tpu7x:2x2x1
jax: 0.10.2.dev20260603
libtpu: 0.0.44.dev20260713+nightly
codegen_flags: <defaults>
</compile_context>

<pallas_src>
import jax
import jax.numpy as jnp
from jax import lax
from jax.experimental import pallas as pl
from jax.experimental.pallas import tpu as pltpu
from jax.experimental.pallas import tpu_sc as plsc

_B, _M, _F, _H = 16, 4096, 64, 16


_BI = 4
_NSTEP = _B // _BI


def _subnet_body(x_hbm, w1t_ref, b1r_ref, w2t_ref, b2_ref, out_ref,
                 xbuf, sems):
    i = pl.program_id(0)
    nbuf = 3

    @pl.when(i == 0)
    def _prime():
        for k in range(nbuf - 1):
            pltpu.make_async_copy(x_hbm.at[pl.ds(k * _BI, _BI)],
                                  xbuf.at[k], sems.at[k]).start()

    @pl.when(i + nbuf - 1 < _NSTEP)
    def _next():
        j = i + nbuf - 1
        pltpu.make_async_copy(x_hbm.at[pl.ds(j * _BI, _BI)],
                              xbuf.at[j % nbuf], sems.at[j % nbuf]).start()

    pltpu.make_async_copy(x_hbm.at[pl.ds(i * _BI, _BI)],
                          xbuf.at[i % nbuf], sems.at[i % nbuf]).wait()
    b1c = b1r_ref[...].reshape(_H, 1)
    for b in range(_BI):
        x = xbuf[i % nbuf, b]
        zt = lax.dot_general(w1t_ref[...], x, (((1,), (0,)), ((), ())),
                             preferred_element_type=jnp.float32)
        ht = jnp.maximum(zt + b1c, 0.0)
        c = lax.dot_general(w2t_ref[...], ht, (((1,), (0,)), ((), ())),
                            preferred_element_type=jnp.float32)
        out_ref[pl.ds(b * _M, _M)] = (c + b2_ref[0, 0]).reshape(_M)


def _subnet_contribs(xt, w1t, b1r, w2t, b2r):
    return pl.pallas_call(
        _subnet_body,
        grid=(_NSTEP,),
        in_specs=[
            pl.BlockSpec(memory_space=pl.ANY),
            pl.BlockSpec((_H, _F), lambda i: (0, 0)),
            pl.BlockSpec((1, _H), lambda i: (0, 0)),
            pl.BlockSpec((1, _H), lambda i: (0, 0)),
            pl.BlockSpec((1, 1), lambda i: (0, 0)),
        ],
        out_specs=pl.BlockSpec((_BI * _M,), lambda i: (i,)),
        out_shape=jax.ShapeDtypeStruct((_B * _M,), jnp.float32),
        scratch_shapes=[
            pltpu.VMEM((3, _BI, _F, _M), jnp.float32),
            pltpu.SemaphoreType.DMA((3,)),
        ],
    )(xt, w1t, b1r, w2t, b2r)


def _lane_shuffle(v, idx):
    return lax.gather(
        v, idx[:, None],
        lax.GatherDimensionNumbers(offset_dims=(), collapsed_slice_dims=(0,),
                                   start_index_map=(0,)),
        slice_sizes=(1,), mode=lax.GatherScatterMode.PROMISE_IN_BOUNDS)


def _sc_reduce_body(contribs_hbm, lengths_hbm, out_hbm, scratch_hbm,
                    cv, lv, ov, gv, av):
    s = lax.axis_index("s")
    b = s
    lane = lax.iota(jnp.int32, 16)

    @pl.when(s < _B)
    def _work():
        pltpu.sync_copy(contribs_hbm.at[pl.ds(b * _M, _M)], cv)
        pltpu.sync_copy(lengths_hbm, lv)
        l_vec = _lane_shuffle(lv[...], jnp.full((16,), b, jnp.int32))

        def body(r, acc):
            for k in range(8):
                jl = pl.multiple_of(r * 128, 128) + k * 16
                v = cv[pl.ds(jl, 16)]
                m = (jl + lane) < l_vec
                acc = acc + jnp.where(m, v, 0.0)
            return acc

        v = lax.fori_loop(0, _M // 128, body, jnp.zeros((16,), jnp.float32))
        for shift in (8, 4, 2, 1):
            v = v + _lane_shuffle(v, lane ^ shift)
        ov[...] = v
        pltpu.sync_copy(ov, scratch_hbm.at[b])

    plsc.subcore_barrier()

    @pl.when(s == 0)
    def _assemble():
        pltpu.sync_copy(scratch_hbm, av)
        res = jnp.zeros((16,), jnp.float32)
        for bb in range(_B):
            res = res + jnp.where(lane == bb, av[bb], 0.0)
        gv[...] = res
        pltpu.sync_copy(gv, out_hbm)


def _sc_segment_sum(contribs, lengths):
    mesh = plsc.VectorSubcoreMesh(core_axis_name="c", subcore_axis_name="s",
                                  num_cores=1)
    f = pl.kernel(
        _sc_reduce_body,
        out_type=(jax.ShapeDtypeStruct((_B,), jnp.float32),
                  jax.ShapeDtypeStruct((_B, 16), jnp.float32)),
        mesh=mesh,
        scratch_types=[
            pltpu.VMEM((_M,), jnp.float32),
            pltpu.VMEM((_B,), jnp.int32),
            pltpu.VMEM((16,), jnp.float32),
            pltpu.VMEM((16,), jnp.float32),
            pltpu.VMEM((_B, 16), jnp.float32),
        ],
    )
    return f(contribs, lengths)[0]


def kernel(inputs, masks, sequence_lengths, W1, b1, W2, b2):
    xt = inputs.transpose(0, 2, 1)
    contribs = _subnet_contribs(
        xt, W1.T, b1.reshape(1, _H), W2.reshape(1, _H), b2.reshape(1, 1))
    return _sc_segment_sum(contribs, sequence_lengths)

# --- scband reference (transcript-rebuilt; emitter-appended) ---
"""Pipeline reference for scband-reduce-regressor-51488067945080 (READ-ONLY COPY).

The authoritative reference and input builder live on the scoring server;
editing this copy changes nothing except your own understanding.
"""

import jax, jax.numpy as jnp
import numpy as np

B, M, F, H = 16, 4096, 64, 16

def setup_inputs(seed: int = 0) -> dict:
    key = jax.random.key(seed)
    ks = jax.random.split(key, 6)
    # ragged lengths; force max == M so padded reshape matches TF's M_max = reduce_max(sequence_lengths)
    lengths = jax.random.randint(ks[0], (B,), 2048, M + 1).astype(jnp.int32)
    lengths = lengths.at[0].set(M)
    masks = (jnp.arange(M)[None, :] < lengths[:, None]).astype(jnp.float32)[..., None]
    inputs = jax.random.normal(ks[1], (B, M, F), dtype=jnp.float32)
    # subnet params: Dense(F->H, relu), Dense(H->1)
    W1 = jax.random.normal(ks[2], (F, H), dtype=jnp.float32) * (1.0 / np.sqrt(F))
    b1 = jnp.zeros((H,), dtype=jnp.float32)
    W2 = jax.random.normal(ks[3], (H, 1), dtype=jnp.float32) * (1.0 / np.sqrt(H))
    b2 = jnp.zeros((1,), dtype=jnp.float32)
    return {"inputs": inputs, "masks": masks, "sequence_lengths": lengths,
            "W1": W1, "b1": b1, "W2": W2, "b2": b2}

def reference(inputs, masks, sequence_lengths, W1, b1, W2, b2):
    # ReduceRegressor.call with ragged_processing=False (padded path)
    M_max = inputs.shape[1]  # == jnp.max(sequence_lengths) by construction
    batch_size = inputs.shape[0]
    stacked_inputs = inputs.reshape(-1, inputs.shape[-1])          # (B*M, F)
    h = jax.nn.relu(stacked_inputs @ W1 + b1)                      # subnet hidden
    raw_contribs = h @ W2 + b2                                     # (B*M, 1)
    reshaped = raw_contribs.reshape(batch_size, M_max)             # (B, M)
    pairwise_contribs = reshaped * jnp.squeeze(masks, axis=2)      # mask out padding
    results = jnp.sum(pairwise_contribs, axis=1)                   # reduction_func = reduce_sum(axis=1)
    return results

if __name__ == "__main__":
    import jax
    _d = setup_inputs()
    print(jax.jit(kernel)(*tuple(_d.values())))

</pallas_src>

<mosaic_0001>
#map = affine_map<(d0, d1) -> (0)>
#map1 = affine_map<(d0, d1) -> (0, 0)>
module attributes {stable_mosaic.version = 14 : i64} {
  func.func @_sc_reduce_body(%arg0: i32, %arg1: i32, %arg2: memref<65536xf32, #tpu.memory_space<hbm>>, %arg3: memref<16xi32, #tpu.memory_space<hbm>>, %arg4: memref<16xf32, #tpu.memory_space<hbm>>, %arg5: memref<16x16xf32, #tpu.memory_space<hbm>>, %arg6: memref<4096xf32, #tpu.memory_space<vmem>>, %arg7: memref<16xi32, #tpu.memory_space<vmem>>, %arg8: memref<16xf32, #tpu.memory_space<vmem>>, %arg9: memref<16xf32, #tpu.memory_space<vmem>>, %arg10: memref<16x16xf32, #tpu.memory_space<vmem>>) attributes {dimension_semantics = [#tpu.dimension_semantics<core_parallel>, #tpu.dimension_semantics<subcore_parallel>], iteration_bounds = array<i64: 1, 16>, scalar_prefetch = 0 : i64, scratch_operands = 5 : i64, tpu.core_type = #tpu.core_type<sc_vector_subcore>, window_params = [{transform_indices = #map}, {transform_indices = #map}, {transform_indices = #map}, {transform_indices = #map1}]} {
    %iota3A = tpu.iota {dimensions = array<i32: 0>} : vector<16xi32>
    %lt3A = arith.constant 16 : i32
    %lt3A_0 = arith.cmpi slt, %arg1, %lt3A : i32
    %convert_element_type3A = arith.extui %lt3A_0 : i1 to i32
    %cond3A = arith.constant 0 : i32
    %cond3A_1 = arith.cmpi ne, %convert_element_type3A, %cond3A : i32
    scf.if %cond3A_1 {
      %mul3A = arith.constant 4096 : i32
      %mul3A_6 = arith.muli %arg1, %mul3A : i32
      "tpu.region"() ({
        %run_scoped3A = tpu.sem_alloc : memref<!tpu.dma_semaphore, #tpu.memory_space<semaphore_mem>>
        %dma_start3A = tpu.memref_slice %arg2[%mul3A_6] : memref<65536xf32, #tpu.memory_space<hbm>> -> memref<4096xf32, #tpu.memory_space<hbm>>
        %dma_start3A_47 = tpu.memref_slice %arg2[%mul3A_6] : memref<65536xf32, #tpu.memory_space<hbm>> -> memref<4096xf32, #tpu.memory_space<hbm>>
        tpu.enqueue_dma source(%dma_start3A_47 : memref<4096xf32, #tpu.memory_space<hbm>>) target(%arg6 : memref<4096xf32, #tpu.memory_space<vmem>>) target_semaphore(%run_scoped3A : memref<!tpu.dma_semaphore, #tpu.memory_space<semaphore_mem>>)
        %dma_wait3A = tpu.memref_slice %arg2[%mul3A_6] : memref<65536xf32, #tpu.memory_space<hbm>> -> memref<4096xf32, #tpu.memory_space<hbm>>
        %dma_wait3A_48 = tpu.memref_slice %arg2[%mul3A_6] : memref<65536xf32, #tpu.memory_space<hbm>> -> memref<4096xf32, #tpu.memory_space<hbm>>
        tpu.wait_dma2 semaphore(%run_scoped3A : memref<!tpu.dma_semaphore, #tpu.memory_space<semaphore_mem>>) src(%dma_wait3A_48 : memref<4096xf32, #tpu.memory_space<hbm>>) dst(%arg6 : memref<4096xf32, #tpu.memory_space<vmem>>)
        tpu.yield
      }) : () -> ()
      "tpu.region"() ({
        %run_scoped3A = tpu.sem_alloc : memref<!tpu.dma_semaphore, #tpu.memory_space<semaphore_mem>>
        tpu.enqueue_dma source(%arg3 : memref<16xi32, #tpu.memory_space<hbm>>) target(%arg7 : memref<16xi32, #tpu.memory_space<vmem>>) target_semaphore(%run_scoped3A : memref<!tpu.dma_semaphore, #tpu.memory_space<semaphore_mem>>)
        tpu.wait_dma2 semaphore(%run_scoped3A : memref<!tpu.dma_semaphore, #tpu.memory_space<semaphore_mem>>) src(%arg3 : memref<16xi32, #tpu.memory_space<hbm>>) dst(%arg7 : memref<16xi32, #tpu.memory_space<vmem>>)
        tpu.yield
      }) : () -> ()
      %get3A = arith.constant 0 : index
      %get3A_7 = tpu.vector_load %arg7[%get3A] {strides = array<i32>} : memref<16xi32, #tpu.memory_space<vmem>>, vector<16xi32>,
      %get3A_8 = vector.shape_cast %get3A_7 : vector<16xi32> to vector<16xi32>
      %broadcast_in_dim3A = vector.broadcast %arg1 : i32 to vector<16xi32>
      %broadcast_in_dim3A_9 = vector.shape_cast %broadcast_in_dim3A : vector<16xi32> to vector<16x1xi32>
      %gather3A = vector.shape_cast %broadcast_in_dim3A_9 : vector<16x1xi32> to vector<16xi32>
      %gather3A_10 = tpu.dynamic_gather %get3A_8[%gather3A] in [0] : vector<16xi32>, vector<16xi32> -> vector<16xi32>
      %broadcast_in_dim3A_11 = arith.constant 0.000000e+00 : f32
      %broadcast_in_dim3A_12 = vector.broadcast %broadcast_in_dim3A_11 : f32 to vector<16xf32>
      %scan3A = arith.constant 0 : i32
      %scan3A_13 = arith.constant 32 : i32
      %scan3A_14 = arith.addi %scan3A, %scan3A_13 : i32
      %scan3A_15 = arith.constant 1 : i32
      %scan3A_16 = scf.for %scan3A_47 = %scan3A to %scan3A_14 step %scan3A_15 iter_args(%scan3A_48 = %broadcast_in_dim3A_12) -> (vector<16xf32>)  : i32 {
        %mul3A_49 = arith.constant 128 : i32
        %mul3A_50 = arith.muli %scan3A_47, %mul3A_49 : i32
        %multiple_of3A = tpu.assume_multiple %mul3A_50, 128 : i32
        %add3A_51 = arith.constant 0 : i32
        %add3A_52 = arith.addi %multiple_of3A, %add3A_51 : i32
        %get3A_53 = arith.index_cast %add3A_52 : i32 to index
        %get3A_54 = tpu.vector_load %arg6[%get3A_53] {strides = array<i32>} : memref<4096xf32, #tpu.memory_space<vmem>>, vector<16xf32>,
        %get3A_55 = vector.shape_cast %get3A_54 : vector<16xf32> to vector<16xf32>
        %add3A_56 = vector.broadcast %add3A_52 : i32 to vector<16xi32>
        %add3A_57 = arith.addi %add3A_56, %iota3A : vector<16xi32>
        %lt3A_58 = arith.cmpi slt, %add3A_57, %gather3A_10 : vector<16xi32>
        %jit3A = arith.constant 0.000000e+00 : f32
        %broadcast_in_dim3A_59 = vector.broadcast %jit3A : f32 to vector<16xf32>
        %select_n3A = arith.select %lt3A_58, %get3A_55, %broadcast_in_dim3A_59 : vector<16xi1>, vector<16xf32>
        %add3A_60 = arith.addf %scan3A_48, %select_n3A : vector<16xf32>
        %mul3A_61 = arith.constant 128 : i32
        %mul3A_62 = arith.muli %scan3A_47, %mul3A_61 : i32
        %multiple_of3A_63 = tpu.assume_multiple %mul3A_62, 128 : i32
        %add3A_64 = arith.constant 16 : i32
        %add3A_65 = arith.addi %multiple_of3A_63, %add3A_64 : i32
        %get3A_66 = arith.index_cast %add3A_65 : i32 to index
        %get3A_67 = tpu.vector_load %arg6[%get3A_66] {strides = array<i32>} : memref<4096xf32, #tpu.memory_space<vmem>>, vector<16xf32>,
        %get3A_68 = vector.shape_cast %get3A_67 : vector<16xf32> to vector<16xf32>
        %add3A_69 = vector.broadcast %add3A_65 : i32 to vector<16xi32>
        %add3A_70 = arith.addi %add3A_69, %iota3A : vector<16xi32>
        %lt3A_71 = arith.cmpi slt, %add3A_70, %gather3A_10 : vector<16xi32>
        %jit3A_72 = arith.constant 0.000000e+00 : f32
        %broadcast_in_dim3A_73 = vector.broadcast %jit3A_72 : f32 to vector<16xf32>
        %select_n3A_74 = arith.select %lt3A_71, %get3A_68, %broadcast_in_dim3A_73 : vector<16xi1>, vector<16xf32>
        %add3A_75 = arith.addf %add3A_60, %select_n3A_74 : vector<16xf32>
        %mul3A_76 = arith.constant 128 : i32
        %mul3A_77 = arith.muli %scan3A_47, %mul3A_76 : i32
        %multiple_of3A_78 = tpu.assume_multiple %mul3A_77, 128 : i32
        %add3A_79 = arith.constant 32 : i32
        %add3A_80 = arith.addi %multiple_of3A_78, %add3A_79 : i32
        %get3A_81 = arith.index_cast %add3A_80 : i32 to index
        %get3A_82 = tpu.vector_load %arg6[%get3A_81] {strides = array<i32>} : memref<4096xf32, #tpu.memory_space<vmem>>, vector<16xf32>,
        %get3A_83 = vector.shape_cast %get3A_82 : vector<16xf32> to vector<16xf32>
        %add3A_84 = vector.broadcast %add3A_80 : i32 to vector<16xi32>
        %add3A_85 = arith.addi %add3A_84, %iota3A : vector<16xi32>
        %lt3A_86 = arith.cmpi slt, %add3A_85, %gather3A_10 : vector<16xi32>
        %jit3A_87 = arith.constant 0.000000e+00 : f32
        %broadcast_in_dim3A_88 = vector.broadcast %jit3A_87 : f32 to vector<16xf32>
        %select_n3A_89 = arith.select %lt3A_86, %get3A_83, %broadcast_in_dim3A_88 : vector<16xi1>, vector<16xf32>
        %add3A_90 = arith.addf %add3A_75, %select_n3A_89 : vector<16xf32>
        %mul3A_91 = arith.constant 128 : i32
        %mul3A_92 = arith.muli %scan3A_47, %mul3A_91 : i32
        %multiple_of3A_93 = tpu.assume_multiple %mul3A_92, 128 : i32
        %add3A_94 = arith.constant 48 : i32
        %add3A_95 = arith.addi %multiple_of3A_93, %add3A_94 : i32
        %get3A_96 = arith.index_cast %add3A_95 : i32 to index
        %get3A_97 = tpu.vector_load %arg6[%get3A_96] {strides = array<i32>} : memref<4096xf32, #tpu.memory_space<vmem>>, vector<16xf32>,
        %get3A_98 = vector.shape_cast %get3A_97 : vector<16xf32> to vector<16xf32>
        %add3A_99 = vector.broadcast %add3A_95 : i32 to vector<16xi32>
        %add3A_100 = arith.addi %add3A_99, %iota3A : vector<16xi32>
        %lt3A_101 = arith.cmpi slt, %add3A_100, %gather3A_10 : vector<16xi32>
        %jit3A_102 = arith.constant 0.000000e+00 : f32
        %broadcast_in_dim3A_103 = vector.broadcast %jit3A_102 : f32 to vector<16xf32>
        %select_n3A_104 = arith.select %lt3A_101, %get3A_98, %broadcast_in_dim3A_103 : vector<16xi1>, vector<16xf32>
        %add3A_105 = arith.addf %add3A_90, %select_n3A_104 : vector<16xf32>
        %mul3A_106 = arith.constant 128 : i32
        %mul3A_107 = arith.muli %scan3A_47, %mul3A_106 : i32
        %multiple_of3A_108 = tpu.assume_multiple %mul3A_107, 128 : i32
        %add3A_109 = arith.constant 64 : i32
        %add3A_110 = arith.addi %multiple_of3A_108, %add3A_109 : i32
        %get3A_111 = arith.index_cast %add3A_110 : i32 to index
        %get3A_112 = tpu.vector_load %arg6[%get3A_111] {strides = array<i32>} : memref<4096xf32, #tpu.memory_space<vmem>>, vector<16xf32>,
        %get3A_113 = vector.shape_cast %get3A_112 : vector<16xf32> to vector<16xf32>
        %add3A_114 = vector.broadcast %add3A_110 : i32 to vector<16xi32>
        %add3A_115 = arith.addi %add3A_114, %iota3A : vector<16xi32>
        %lt3A_116 = arith.cmpi slt, %add3A_115, %gather3A_10 : vector<16xi32>
        %jit3A_117 = arith.constant 0.000000e+00 : f32
        %broadcast_in_dim3A_118 = vector.broadcast %jit3A_117 : f32 to vector<16xf32>
        %select_n3A_119 = arith.select %lt3A_116, %get3A_113, %broadcast_in_dim3A_118 : vector<16xi1>, vector<16xf32>
        %add3A_120 = arith.addf %add3A_105, %select_n3A_119 : vector<16xf32>
        %mul3A_121 = arith.constant 128 : i32
        %mul3A_122 = arith.muli %scan3A_47, %mul3A_121 : i32
        %multiple_of3A_123 = tpu.assume_multiple %mul3A_122, 128 : i32
        %add3A_124 = arith.constant 80 : i32
        %add3A_125 = arith.addi %multiple_of3A_123, %add3A_124 : i32
        %get3A_126 = arith.index_cast %add3A_125 : i32 to index
        %get3A_127 = tpu.vector_load %arg6[%get3A_126] {strides = array<i32>} : memref<4096xf32, #tpu.memory_space<vmem>>, vector<16xf32>,
        %get3A_128 = vector.shape_cast %get3A_127 : vector<16xf32> to vector<16xf32>
        %add3A_129 = vector.broadcast %add3A_125 : i32 to vector<16xi32>
        %add3A_130 = arith.addi %add3A_129, %iota3A : vector<16xi32>
        %lt3A_131 = arith.cmpi slt, %add3A_130, %gather3A_10 : vector<16xi32>
        %jit3A_132 = arith.constant 0.000000e+00 : f32
        %broadcast_in_dim3A_133 = vector.broadcast %jit3A_132 : f32 to vector<16xf32>
        %select_n3A_134 = arith.select %lt3A_131, %get3A_128, %broadcast_in_dim3A_133 : vector<16xi1>, vector<16xf32>
        %add3A_135 = arith.addf %add3A_120, %select_n3A_134 : vector<16xf32>
        %mul3A_136 = arith.constant 128 : i32
        %mul3A_137 = arith.muli %scan3A_47, %mul3A_136 : i32
        %multiple_of3A_138 = tpu.assume_multiple %mul3A_137, 128 : i32
        %add3A_139 = arith.constant 96 : i32
        %add3A_140 = arith.addi %multiple_of3A_138, %add3A_139 : i32
        %get3A_141 = arith.index_cast %add3A_140 : i32 to index
        %get3A_142 = tpu.vector_load %arg6[%get3A_141] {strides = array<i32>} : memref<4096xf32, #tpu.memory_space<vmem>>, vector<16xf32>,
        %get3A_143 = vector.shape_cast %get3A_142 : vector<16xf32> to vector<16xf32>
        %add3A_144 = vector.broadcast %add3A_140 : i32 to vector<16xi32>
        %add3A_145 = arith.addi %add3A_144, %iota3A : vector<16xi32>
        %lt3A_146 = arith.cmpi slt, %add3A_145, %gather3A_10 : vector<16xi32>
        %jit3A_147 = arith.constant 0.000000e+00 : f32
        %broadcast_in_dim3A_148 = vector.broadcast %jit3A_147 : f32 to vector<16xf32>
        %select_n3A_149 = arith.select %lt3A_146, %get3A_143, %broadcast_in_dim3A_148 : vector<16xi1>, vector<16xf32>
        %add3A_150 = arith.addf %add3A_135, %select_n3A_149 : vector<16xf32>
        %mul3A_151 = arith.constant 128 : i32
        %mul3A_152 = arith.muli %scan3A_47, %mul3A_151 : i32
        %multiple_of3A_153 = tpu.assume_multiple %mul3A_152, 128 : i32
        %add3A_154 = arith.constant 112 : i32
        %add3A_155 = arith.addi %multiple_of3A_153, %add3A_154 : i32
        %get3A_156 = arith.index_cast %add3A_155 : i32 to index
        %get3A_157 = tpu.vector_load %arg6[%get3A_156] {strides = array<i32>} : memref<4096xf32, #tpu.memory_space<vmem>>, vector<16xf32>,
        %get3A_158 = vector.shape_cast %get3A_157 : vector<16xf32> to vector<16xf32>
        %add3A_159 = vector.broadcast %add3A_155 : i32 to vector<16xi32>
        %add3A_160 = arith.addi %add3A_159, %iota3A : vector<16xi32>
        %lt3A_161 = arith.cmpi slt, %add3A_160, %gather3A_10 : vector<16xi32>
        %jit3A_162 = arith.constant 0.000000e+00 : f32
        %broadcast_in_dim3A_163 = vector.broadcast %jit3A_162 : f32 to vector<16xf32>
        %select_n3A_164 = arith.select %lt3A_161, %get3A_158, %broadcast_in_dim3A_163 : vector<16xi1>, vector<16xf32>
        %add3A_165 = arith.addf %add3A_150, %select_n3A_164 : vector<16xf32>
        scf.yield %add3A_165 : vector<16xf32>
      }
      %scan3A_17 = arith.constant 32 : i32
      %xor3A = arith.constant 8 : i32
      %xor3A_18 = vector.broadcast %xor3A : i32 to vector<16xi32>
      %xor3A_19 = arith.xori %iota3A, %xor3A_18 : vector<16xi32>
      %broadcast_in_dim3A_20 = vector.shape_cast %xor3A_19 : vector<16xi32> to vector<16x1xi32>
      %gather3A_21 = vector.shape_cast %broadcast_in_dim3A_20 : vector<16x1xi32> to vector<16xi32>
      %gather3A_22 = tpu.dynamic_gather %scan3A_16[%gather3A_21] in [0] : vector<16xf32>, vector<16xi32> -> vector<16xf32>
      %add3A = arith.addf %scan3A_16, %gather3A_22 : vector<16xf32>
      %xor3A_23 = arith.constant 4 : i32
      %xor3A_24 = vector.broadcast %xor3A_23 : i32 to vector<16xi32>
      %xor3A_25 = arith.xori %iota3A, %xor3A_24 : vector<16xi32>
      %broadcast_in_dim3A_26 = vector.shape_cast %xor3A_25 : vector<16xi32> to vector<16x1xi32>
      %gather3A_27 = vector.shape_cast %broadcast_in_dim3A_26 : vector<16x1xi32> to vector<16xi32>
      %gather3A_28 = tpu.dynamic_gather %add3A[%gather3A_27] in [0] : vector<16xf32>, vector<16xi32> -> vector<16xf32>
      %add3A_29 = arith.addf %add3A, %gather3A_28 : vector<16xf32>
      %xor3A_30 = arith.constant 2 : i32
      %xor3A_31 = vector.broadcast %xor3A_30 : i32 to vector<16xi32>
      %xor3A_32 = arith.xori %iota3A, %xor3A_31 : vector<16xi32>
      %broadcast_in_dim3A_33 = vector.shape_cast %xor3A_32 : vector<16xi32> to vector<16x1xi32>
      %gather3A_34 = vector.shape_cast %broadcast_in_dim3A_33 : vector<16x1xi32> to vector<16xi32>
      %gather3A_35 = tpu.dynamic_gather %add3A_29[%gather3A_34] in [0] : vector<16xf32>, vector<16xi32> -> vector<16xf32>
      %add3A_36 = arith.addf %add3A_29, %gather3A_35 : vector<16xf32>
      %xor3A_37 = arith.constant 1 : i32
      %xor3A_38 = vector.broadcast %xor3A_37 : i32 to vector<16xi32>
      %xor3A_39 = arith.xori %iota3A, %xor3A_38 : vector<16xi32>
      %broadcast_in_dim3A_40 = vector.shape_cast %xor3A_39 : vector<16xi32> to vector<16x1xi32>
      %gather3A_41 = vector.shape_cast %broadcast_in_dim3A_40 : vector<16x1xi32> to vector<16xi32>
      %gather3A_42 = tpu.dynamic_gather %add3A_36[%gather3A_41] in [0] : vector<16xf32>, vector<16xi32> -> vector<16xf32>
      %add3A_43 = arith.addf %add3A_36, %gather3A_42 : vector<16xf32>
      %swap3A = arith.constant 0 : index
      %swap3A_44 = tpu.vector_load %arg8[%swap3A] {strides = array<i32>} : memref<16xf32, #tpu.memory_space<vmem>>, vector<16xf32>,
      %swap3A_45 = vector.shape_cast %swap3A_44 : vector<16xf32> to vector<16xf32>
      %swap3A_46 = vector.shape_cast %add3A_43 : vector<16xf32> to vector<16xf32>
      tpu.vector_store %arg8[%swap3A], %swap3A_46 {strides = array<i32>} : memref<16xf32, #tpu.memory_space<vmem>>, vector<16xf32>,
      "tpu.region"() ({
        %run_scoped3A = tpu.sem_alloc : memref<!tpu.dma_semaphore, #tpu.memory_space<semaphore_mem>>
        %dma_start3A = arith.constant 0 : i32
        %dma_start3A_47 = tpu.memref_slice %arg5[%arg1, %dma_start3A] : memref<16x16xf32, #tpu.memory_space<hbm>> -> memref<1x16xf32, #tpu.memory_space<hbm>>
        %dma_start3A_48 = tpu.memref_squeeze %dma_start3A_47 : memref<1x16xf32, #tpu.memory_space<hbm>> -> memref<16xf32, #tpu.memory_space<hbm>>
        %dma_start3A_49 = arith.constant 0 : i32
        %dma_start3A_50 = tpu.memref_slice %arg5[%arg1, %dma_start3A_49] : memref<16x16xf32, #tpu.memory_space<hbm>> -> memref<1x16xf32, #tpu.memory_space<hbm>>
        %dma_start3A_51 = tpu.memref_squeeze %dma_start3A_50 : memref<1x16xf32, #tpu.memory_space<hbm>> -> memref<16xf32, #tpu.memory_space<hbm>>
        tpu.enqueue_dma source(%arg8 : memref<16xf32, #tpu.memory_space<vmem>>) target(%dma_start3A_51 : memref<16xf32, #tpu.memory_space<hbm>>) target_semaphore(%run_scoped3A : memref<!tpu.dma_semaphore, #tpu.memory_space<semaphore_mem>>)
        %dma_wait3A = arith.constant 0 : i32
        %dma_wait3A_52 = tpu.memref_slice %arg5[%arg1, %dma_wait3A] : memref<16x16xf32, #tpu.memory_space<hbm>> -> memref<1x16xf32, #tpu.memory_space<hbm>>
        %dma_wait3A_53 = tpu.memref_squeeze %dma_wait3A_52 : memref<1x16xf32, #tpu.memory_space<hbm>> -> memref<16xf32, #tpu.memory_space<hbm>>
        %dma_wait3A_54 = arith.constant 0 : i32
        %dma_wait3A_55 = tpu.memref_slice %arg5[%arg1, %dma_wait3A_54] : memref<16x16xf32, #tpu.memory_space<hbm>> -> memref<1x16xf32, #tpu.memory_space<hbm>>
        %dma_wait3A_56 = tpu.memref_squeeze %dma_wait3A_55 : memref<1x16xf32, #tpu.memory_space<hbm>> -> memref<16xf32, #tpu.memory_space<hbm>>
        tpu.wait_dma2 semaphore(%run_scoped3A : memref<!tpu.dma_semaphore, #tpu.memory_space<semaphore_mem>>) src(%arg8 : memref<16xf32, #tpu.memory_space<vmem>>) dst(%dma_wait3A_56 : memref<16xf32, #tpu.memory_space<hbm>>)
        tpu.yield
      }) : () -> ()
    } else {
    }
    %barrier3A = arith.constant 0 : index
    tpu.barrier barrier_id(%barrier3A)
    %eq3A = arith.constant 0 : i32
    %eq3A_2 = arith.cmpi eq, %arg1, %eq3A : i32
    %convert_element_type3A_3 = arith.extui %eq3A_2 : i1 to i32
    %cond3A_4 = arith.constant 0 : i32
    %cond3A_5 = arith.cmpi ne, %convert_element_type3A_3, %cond3A_4 : i32
    scf.if %cond3A_5 {
      "tpu.region"() ({
        %run_scoped3A = tpu.sem_alloc : memref<!tpu.dma_semaphore, #tpu.memory_space<semaphore_mem>>
        tpu.enqueue_dma source(%arg5 : memref<16x16xf32, #tpu.memory_space<hbm>>) target(%arg10 : memref<16x16xf32, #tpu.memory_space<vmem>>) target_semaphore(%run_scoped3A : memref<!tpu.dma_semaphore, #tpu.memory_space<semaphore_mem>>)
        tpu.wait_dma2 semaphore(%run_scoped3A : memref<!tpu.dma_semaphore, #tpu.memory_space<semaphore_mem>>) src(%arg5 : memref<16x16xf32, #tpu.memory_space<hbm>>) dst(%arg10 : memref<16x16xf32, #tpu.memory_space<vmem>>)
        tpu.yield
      }) : () -> ()
      %broadcast_in_dim3A = arith.constant 0.000000e+00 : f32
      %broadcast_in_dim3A_6 = vector.broadcast %broadcast_in_dim3A : f32 to vector<16xf32>
      %eq3A_7 = arith.constant 0 : i32
      %eq3A_8 = vector.broadcast %eq3A_7 : i32 to vector<16xi32>
      %eq3A_9 = arith.cmpi eq, %iota3A, %eq3A_8 : vector<16xi32>
      %get3A = arith.constant 0 : i32
      %get3A_10 = arith.index_cast %get3A : i32 to index
      %get3A_11 = arith.constant 0 : index
      %get3A_12 = tpu.vector_load %arg10[%get3A_10, %get3A_11] {strides = array<i32>} : memref<16x16xf32, #tpu.memory_space<vmem>>, vector<1x16xf32>,
      %get3A_13 = vector.shape_cast %get3A_12 : vector<1x16xf32> to vector<16xf32>
      %jit3A = arith.constant 0.000000e+00 : f32
      %broadcast_in_dim3A_14 = vector.broadcast %jit3A : f32 to vector<16xf32>
      %select_n3A = arith.select %eq3A_9, %get3A_13, %broadcast_in_dim3A_14 : vector<16xi1>, vector<16xf32>
      %add3A = arith.addf %broadcast_in_dim3A_6, %select_n3A : vector<16xf32>
      %eq3A_15 = arith.constant 1 : i32
      %eq3A_16 = vector.broadcast %eq3A_15 : i32 to vector<16xi32>
      %eq3A_17 = arith.cmpi eq, %iota3A, %eq3A_16 : vector<16xi32>
      %get3A_18 = arith.constant 1 : i32
      %get3A_19 = arith.index_cast %get3A_18 : i32 to index
      %get3A_20 = arith.constant 0 : index
      %get3A_21 = tpu.vector_load %arg10[%get3A_19, %get3A_20] {strides = array<i32>} : memref<16x16xf32, #tpu.memory_space<vmem>>, vector<1x16xf32>,
      %get3A_22 = vector.shape_cast %get3A_21 : vector<1x16xf32> to vector<16xf32>
      %jit3A_23 = arith.constant 0.000000e+00 : f32
      %broadcast_in_dim3A_24 = vector.broadcast %jit3A_23 : f32 to vector<16xf32>
      %select_n3A_25 = arith.select %eq3A_17, %get3A_22, %broadcast_in_dim3A_24 : vector<16xi1>, vector<16xf32>
      %add3A_26 = arith.addf %add3A, %select_n3A_25 : vector<16xf32>
      %eq3A_27 = arith.constant 2 : i32
      %eq3A_28 = vector.broadcast %eq3A_27 : i32 to vector<16xi32>
      %eq3A_29 = arith.cmpi eq, %iota3A, %eq3A_28 : vector<16xi32>
      %get3A_30 = arith.constant 2 : i32
      %get3A_31 = arith.index_cast %get3A_30 : i32 to index
      %get3A_32 = arith.constant 0 : index
      %get3A_33 = tpu.vector_load %arg10[%get3A_31, %get3A_32] {strides = array<i32>} : memref<16x16xf32, #tpu.memory_space<vmem>>, vector<1x16xf32>,
      %get3A_34 = vector.shape_cast %get3A_33 : vector<1x16xf32> to vector<16xf32>
      %jit3A_35 = arith.constant 0.000000e+00 : f32
      %broadcast_in_dim3A_36 = vector.broadcast %jit3A_35 : f32 to vector<16xf32>
      %select_n3A_37 = arith.select %eq3A_29, %get3A_34, %broadcast_in_dim3A_36 : vector<16xi1>, vector<16xf32>
      %add3A_38 = arith.addf %add3A_26, %select_n3A_37 : vector<16xf32>
      %eq3A_39 = arith.constant 3 : i32
      %eq3A_40 = vector.broadcast %eq3A_39 : i32 to vector<16xi32>
      %eq3A_41 = arith.cmpi eq, %iota3A, %eq3A_40 : vector<16xi32>
      %get3A_42 = arith.constant 3 : i32
      %get3A_43 = arith.index_cast %get3A_42 : i32 to index
      %get3A_44 = arith.constant 0 : index
      %get3A_45 = tpu.vector_load %arg10[%get3A_43, %get3A_44] {strides = array<i32>} : memref<16x16xf32, #tpu.memory_space<vmem>>, vector<1x16xf32>,
      %get3A_46 = vector.shape_cast %get3A_45 : vector<1x16xf32> to vector<16xf32>
      %jit3A_47 = arith.constant 0.000000e+00 : f32
      %broadcast_in_dim3A_48 = vector.broadcast %jit3A_47 : f32 to vector<16xf32>
      %select_n3A_49 = arith.select %eq3A_41, %get3A_46, %broadcast_in_dim3A_48 : vector<16xi1>, vector<16xf32>
      %add3A_50 = arith.addf %add3A_38, %select_n3A_49 : vector<16xf32>
      %eq3A_51 = arith.constant 4 : i32
      %eq3A_52 = vector.broadcast %eq3A_51 : i32 to vector<16xi32>
      %eq3A_53 = arith.cmpi eq, %iota3A, %eq3A_52 : vector<16xi32>
      %get3A_54 = arith.constant 4 : i32
      %get3A_55 = arith.index_cast %get3A_54 : i32 to index
      %get3A_56 = arith.constant 0 : index
      %get3A_57 = tpu.vector_load %arg10[%get3A_55, %get3A_56] {strides = array<i32>} : memref<16x16xf32, #tpu.memory_space<vmem>>, vector<1x16xf32>,
      %get3A_58 = vector.shape_cast %get3A_57 : vector<1x16xf32> to vector<16xf32>
      %jit3A_59 = arith.constant 0.000000e+00 : f32
      %broadcast_in_dim3A_60 = vector.broadcast %jit3A_59 : f32 to vector<16xf32>
      %select_n3A_61 = arith.select %eq3A_53, %get3A_58, %broadcast_in_dim3A_60 : vector<16xi1>, vector<16xf32>
      %add3A_62 = arith.addf %add3A_50, %select_n3A_61 : vector<16xf32>
      %eq3A_63 = arith.constant 5 : i32
      %eq3A_64 = vector.broadcast %eq3A_63 : i32 to vector<16xi32>
      %eq3A_65 = arith.cmpi eq, %iota3A, %eq3A_64 : vector<16xi32>
      %get3A_66 = arith.constant 5 : i32
      %get3A_67 = arith.index_cast %get3A_66 : i32 to index
      %get3A_68 = arith.constant 0 : index
      %get3A_69 = tpu.vector_load %arg10[%get3A_67, %get3A_68] {strides = array<i32>} : memref<16x16xf32, #tpu.memory_space<vmem>>, vector<1x16xf32>,
      %get3A_70 = vector.shape_cast %get3A_69 : vector<1x16xf32> to vector<16xf32>
      %jit3A_71 = arith.constant 0.000000e+00 : f32
      %broadcast_in_dim3A_72 = vector.broadcast %jit3A_71 : f32 to vector<16xf32>
      %select_n3A_73 = arith.select %eq3A_65, %get3A_70, %broadcast_in_dim3A_72 : vector<16xi1>, vector<16xf32>
      %add3A_74 = arith.addf %add3A_62, %select_n3A_73 : vector<16xf32>
      %eq3A_75 = arith.constant 6 : i32
      %eq3A_76 = vector.broadcast %eq3A_75 : i32 to vector<16xi32>
      %eq3A_77 = arith.cmpi eq, %iota3A, %eq3A_76 : vector<16xi32>
      %get3A_78 = arith.constant 6 : i32
      %get3A_79 = arith.index_cast %get3A_78 : i32 to index
      %get3A_80 = arith.constant 0 : index
      %get3A_81 = tpu.vector_load %arg10[%get3A_79, %get3A_80] {strides = array<i32>} : memref<16x16xf32, #tpu.memory_space<vmem>>, vector<1x16xf32>,
      %get3A_82 = vector.shape_cast %get3A_81 : vector<1x16xf32> to vector<16xf32>
      %jit3A_83 = arith.constant 0.000000e+00 : f32
      %broadcast_in_dim3A_84 = vector.broadcast %jit3A_83 : f32 to vector<16xf32>
      %select_n3A_85 = arith.select %eq3A_77, %get3A_82, %broadcast_in_dim3A_84 : vector<16xi1>, vector<16xf32>
      %add3A_86 = arith.addf %add3A_74, %select_n3A_85 : vector<16xf32>
      %eq3A_87 = arith.constant 7 : i32
      %eq3A_88 = vector.broadcast %eq3A_87 : i32 to vector<16xi32>
      %eq3A_89 = arith.cmpi eq, %iota3A, %eq3A_88 : vector<16xi32>
      %get3A_90 = arith.constant 7 : i32
      %get3A_91 = arith.index_cast %get3A_90 : i32 to index
      %get3A_92 = arith.constant 0 : index
      %get3A_93 = tpu.vector_load %arg10[%get3A_91, %get3A_92] {strides = array<i32>} : memref<16x16xf32, #tpu.memory_space<vmem>>, vector<1x16xf32>,
      %get3A_94 = vector.shape_cast %get3A_93 : vector<1x16xf32> to vector<16xf32>
      %jit3A_95 = arith.constant 0.000000e+00 : f32
      %broadcast_in_dim3A_96 = vector.broadcast %jit3A_95 : f32 to vector<16xf32>
      %select_n3A_97 = arith.select %eq3A_89, %get3A_94, %broadcast_in_dim3A_96 : vector<16xi1>, vector<16xf32>
      %add3A_98 = arith.addf %add3A_86, %select_n3A_97 : vector<16xf32>
      %eq3A_99 = arith.constant 8 : i32
      %eq3A_100 = vector.broadcast %eq3A_99 : i32 to vector<16xi32>
      %eq3A_101 = arith.cmpi eq, %iota3A, %eq3A_100 : vector<16xi32>
      %get3A_102 = arith.constant 8 : i32
      %get3A_103 = arith.index_cast %get3A_102 : i32 to index
      %get3A_104 = arith.constant 0 : index
      %get3A_105 = tpu.vector_load %arg10[%get3A_103, %get3A_104] {strides = array<i32>} : memref<16x16xf32, #tpu.memory_space<vmem>>, vector<1x16xf32>,
      %get3A_106 = vector.shape_cast %get3A_105 : vector<1x16xf32> to vector<16xf32>
      %jit3A_107 = arith.constant 0.000000e+00 : f32
      %broadcast_in_dim3A_108 = vector.broadcast %jit3A_107 : f32 to vector<16xf32>
      %select_n3A_109 = arith.select %eq3A_101, %get3A_106, %broadcast_in_dim3A_108 : vector<16xi1>, vector<16xf32>
      %add3A_110 = arith.addf %add3A_98, %select_n3A_109 : vector<16xf32>
      %eq3A_111 = arith.constant 9 : i32
      %eq3A_112 = vector.broadcast %eq3A_111 : i32 to vector<16xi32>
      %eq3A_113 = arith.cmpi eq, %iota3A, %eq3A_112 : vector<16xi32>
      %get3A_114 = arith.constant 9 : i32
      %get3A_115 = arith.index_cast %get3A_114 : i32 to index
      %get3A_116 = arith.constant 0 : index
      %get3A_117 = tpu.vector_load %arg10[%get3A_115, %get3A_116] {strides = array<i32>} : memref<16x16xf32, #tpu.memory_space<vmem>>, vector<1x16xf32>,
      %get3A_118 = vector.shape_cast %get3A_117 : vector<1x16xf32> to vector<16xf32>
      %jit3A_119 = arith.constant 0.000000e+00 : f32
      %broadcast_in_dim3A_120 = vector.broadcast %jit3A_119 : f32 to vector<16xf32>
      %select_n3A_121 = arith.select %eq3A_113, %get3A_118, %broadcast_in_dim3A_120 : vector<16xi1>, vector<16xf32>
      %add3A_122 = arith.addf %add3A_110, %select_n3A_121 : vector<16xf32>
      %eq3A_123 = arith.constant 10 : i32
      %eq3A_124 = vector.broadcast %eq3A_123 : i32 to vector<16xi32>
      %eq3A_125 = arith.cmpi eq, %iota3A, %eq3A_124 : vector<16xi32>
      %get3A_126 = arith.constant 10 : i32
      %get3A_127 = arith.index_cast %get3A_126 : i32 to index
      %get3A_128 = arith.constant 0 : index
      %get3A_129 = tpu.vector_load %arg10[%get3A_127, %get3A_128] {strides = array<i32>} : memref<16x16xf32, #tpu.memory_space<vmem>>, vector<1x16xf32>,
      %get3A_130 = vector.shape_cast %get3A_129 : vector<1x16xf32> to vector<16xf32>
      %jit3A_131 = arith.constant 0.000000e+00 : f32
      %broadcast_in_dim3A_132 = vector.broadcast %jit3A_131 : f32 to vector<16xf32>
      %select_n3A_133 = arith.select %eq3A_125, %get3A_130, %broadcast_in_dim3A_132 : vector<16xi1>, vector<16xf32>
      %add3A_134 = arith.addf %add3A_122, %select_n3A_133 : vector<16xf32>
      %eq3A_135 = arith.constant 11 : i32
      %eq3A_136 = vector.broadcast %eq3A_135 : i32 to vector<16xi32>
      %eq3A_137 = arith.cmpi eq, %iota3A, %eq3A_136 : vector<16xi32>
      %get3A_138 = arith.constant 11 : i32
      %get3A_139 = arith.index_cast %get3A_138 : i32 to index
      %get3A_140 = arith.constant 0 : index
      %get3A_141 = tpu.vector_load %arg10[%get3A_139, %get3A_140] {strides = array<i32>} : memref<16x16xf32, #tpu.memory_space<vmem>>, vector<1x16xf32>,
      %get3A_142 = vector.shape_cast %get3A_141 : vector<1x16xf32> to vector<16xf32>
      %jit3A_143 = arith.constant 0.000000e+00 : f32
      %broadcast_in_dim3A_144 = vector.broadcast %jit3A_143 : f32 to vector<16xf32>
      %select_n3A_145 = arith.select %eq3A_137, %get3A_142, %broadcast_in_dim3A_144 : vector<16xi1>, vector<16xf32>
      %add3A_146 = arith.addf %add3A_134, %select_n3A_145 : vector<16xf32>
      %eq3A_147 = arith.constant 12 : i32
      %eq3A_148 = vector.broadcast %eq3A_147 : i32 to vector<16xi32>
      %eq3A_149 = arith.cmpi eq, %iota3A, %eq3A_148 : vector<16xi32>
      %get3A_150 = arith.constant 12 : i32
      %get3A_151 = arith.index_cast %get3A_150 : i32 to index
      %get3A_152 = arith.constant 0 : index
      %get3A_153 = tpu.vector_load %arg10[%get3A_151, %get3A_152] {strides = array<i32>} : memref<16x16xf32, #tpu.memory_space<vmem>>, vector<1x16xf32>,
      %get3A_154 = vector.shape_cast %get3A_153 : vector<1x16xf32> to vector<16xf32>
      %jit3A_155 = arith.constant 0.000000e+00 : f32
      %broadcast_in_dim3A_156 = vector.broadcast %jit3A_155 : f32 to vector<16xf32>
      %select_n3A_157 = arith.select %eq3A_149, %get3A_154, %broadcast_in_dim3A_156 : vector<16xi1>, vector<16xf32>
      %add3A_158 = arith.addf %add3A_146, %select_n3A_157 : vector<16xf32>
      %eq3A_159 = arith.constant 13 : i32
      %eq3A_160 = vector.broadcast %eq3A_159 : i32 to vector<16xi32>
      %eq3A_161 = arith.cmpi eq, %iota3A, %eq3A_160 : vector<16xi32>
      %get3A_162 = arith.constant 13 : i32
      %get3A_163 = arith.index_cast %get3A_162 : i32 to index
      %get3A_164 = arith.constant 0 : index
      %get3A_165 = tpu.vector_load %arg10[%get3A_163, %get3A_164] {strides = array<i32>} : memref<16x16xf32, #tpu.memory_space<vmem>>, vector<1x16xf32>,
      %get3A_166 = vector.shape_cast %get3A_165 : vector<1x16xf32> to vector<16xf32>
      %jit3A_167 = arith.constant 0.000000e+00 : f32
      %broadcast_in_dim3A_168 = vector.broadcast %jit3A_167 : f32 to vector<16xf32>
      %select_n3A_169 = arith.select %eq3A_161, %get3A_166, %broadcast_in_dim3A_168 : vector<16xi1>, vector<16xf32>
      %add3A_170 = arith.addf %add3A_158, %select_n3A_169 : vector<16xf32>
      %eq3A_171 = arith.constant 14 : i32
      %eq3A_172 = vector.broadcast %eq3A_171 : i32 to vector<16xi32>
      %eq3A_173 = arith.cmpi eq, %iota3A, %eq3A_172 : vector<16xi32>
      %get3A_174 = arith.constant 14 : i32
      %get3A_175 = arith.index_cast %get3A_174 : i32 to index
      %get3A_176 = arith.constant 0 : index
      %get3A_177 = tpu.vector_load %arg10[%get3A_175, %get3A_176] {strides = array<i32>} : memref<16x16xf32, #tpu.memory_space<vmem>>, vector<1x16xf32>,
      %get3A_178 = vector.shape_cast %get3A_177 : vector<1x16xf32> to vector<16xf32>
      %jit3A_179 = arith.constant 0.000000e+00 : f32
      %broadcast_in_dim3A_180 = vector.broadcast %jit3A_179 : f32 to vector<16xf32>
      %select_n3A_181 = arith.select %eq3A_173, %get3A_178, %broadcast_in_dim3A_180 : vector<16xi1>, vector<16xf32>
      %add3A_182 = arith.addf %add3A_170, %select_n3A_181 : vector<16xf32>
      %eq3A_183 = arith.constant 15 : i32
      %eq3A_184 = vector.broadcast %eq3A_183 : i32 to vector<16xi32>
      %eq3A_185 = arith.cmpi eq, %iota3A, %eq3A_184 : vector<16xi32>
      %get3A_186 = arith.constant 15 : i32
      %get3A_187 = arith.index_cast %get3A_186 : i32 to index
      %get3A_188 = arith.constant 0 : index
      %get3A_189 = tpu.vector_load %arg10[%get3A_187, %get3A_188] {strides = array<i32>} : memref<16x16xf32, #tpu.memory_space<vmem>>, vector<1x16xf32>,
      %get3A_190 = vector.shape_cast %get3A_189 : vector<1x16xf32> to vector<16xf32>
      %jit3A_191 = arith.constant 0.000000e+00 : f32
      %broadcast_in_dim3A_192 = vector.broadcast %jit3A_191 : f32 to vector<16xf32>
      %select_n3A_193 = arith.select %eq3A_185, %get3A_190, %broadcast_in_dim3A_192 : vector<16xi1>, vector<16xf32>
      %add3A_194 = arith.addf %add3A_182, %select_n3A_193 : vector<16xf32>
      %swap3A = arith.constant 0 : index
      %swap3A_195 = tpu.vector_load %arg9[%swap3A] {strides = array<i32>} : memref<16xf32, #tpu.memory_space<vmem>>, vector<16xf32>,
      %swap3A_196 = vector.shape_cast %swap3A_195 : vector<16xf32> to vector<16xf32>
      %swap3A_197 = vector.shape_cast %add3A_194 : vector<16xf32> to vector<16xf32>
      tpu.vector_store %arg9[%swap3A], %swap3A_197 {strides = array<i32>} : memref<16xf32, #tpu.memory_space<vmem>>, vector<16xf32>,
      "tpu.region"() ({
        %run_scoped3A = tpu.sem_alloc : memref<!tpu.dma_semaphore, #tpu.memory_space<semaphore_mem>>
        tpu.enqueue_dma source(%arg9 : memref<16xf32, #tpu.memory_space<vmem>>) target(%arg4 : memref<16xf32, #tpu.memory_space<hbm>>) target_semaphore(%run_scoped3A : memref<!tpu.dma_semaphore, #tpu.memory_space<semaphore_mem>>)
        tpu.wait_dma2 semaphore(%run_scoped3A : memref<!tpu.dma_semaphore, #tpu.memory_space<semaphore_mem>>) src(%arg9 : memref<16xf32, #tpu.memory_space<vmem>>) dst(%arg4 : memref<16xf32, #tpu.memory_space<hbm>>)
        tpu.yield
      }) : () -> ()
    } else {
    }
    return
  }
}

module attributes {stable_mosaic.version = 14 : i64} {
  func.func @_subnet_body(%arg0: i32, %arg1: memref<16x64x4096xf32, #tpu.memory_space<any>>, %arg2: memref<16x64xf32, #tpu.memory_space<vmem>>, %arg3: memref<1x16xf32, #tpu.memory_space<vmem>>, %arg4: memref<1x16xf32, #tpu.memory_space<vmem>>, %arg5: memref<1x1xf32, #tpu.memory_space<vmem>>, %arg6: memref<16384xf32, #tpu.memory_space<vmem>>, %arg7: memref<3x4x64x4096xf32, #tpu.memory_space<vmem>>, %arg8: memref<3x!tpu.dma_semaphore, #tpu.memory_space<semaphore_mem>>) attributes {dimension_semantics = [#tpu.dimension_semantics<arbitrary>], iteration_bounds = array<i64: 4>, scalar_prefetch = 0 : i64, scratch_operands = 2 : i64, tpu.core_type = #tpu.core_type<tc>, window_params = [{}, {pipeline_mode = #tpu.pipeline_mode<synchronous>, transform_indices = @transform_1, window_bounds = array<i64: 16, 64>}, {pipeline_mode = #tpu.pipeline_mode<synchronous>, transform_indices = @transform_2, window_bounds = array<i64: 1, 16>}, {pipeline_mode = #tpu.pipeline_mode<synchronous>, transform_indices = @transform_3, window_bounds = array<i64: 1, 16>}, {pipeline_mode = #tpu.pipeline_mode<synchronous>, transform_indices = @transform_4, window_bounds = array<i64: 1, 1>}, {transform_indices = @transform_5, window_bounds = array<i64: 16384>}]} {
    %eq3A = arith.constant 0 : i32
    %eq3A_0 = arith.cmpi eq, %arg0, %eq3A : i32
    %convert_element_type3A = arith.extui %eq3A_0 : i1 to i32
    %cond3A = arith.constant 0 : i32
    %cond3A_1 = arith.cmpi ne, %convert_element_type3A, %cond3A : i32
    scf.if %cond3A_1 {
      %dma_start3A = arith.constant 0 : i32
      %dma_start3A_228 = arith.constant 0 : i32
      %dma_start3A_229 = tpu.memref_slice %arg8[%dma_start3A_228] : memref<3x!tpu.dma_semaphore, #tpu.memory_space<semaphore_mem>> -> memref<1x!tpu.dma_semaphore, #tpu.memory_space<semaphore_mem>>
      %dma_start3A_230 = tpu.memref_squeeze %dma_start3A_229 : memref<1x!tpu.dma_semaphore, #tpu.memory_space<semaphore_mem>> -> memref<!tpu.dma_semaphore, #tpu.memory_space<semaphore_mem>>
      %dma_start3A_231 = arith.constant 0 : i32
      %dma_start3A_232 = arith.constant 0 : i32
      %dma_start3A_233 = arith.constant 0 : i32
      %dma_start3A_234 = tpu.memref_slice %arg7[%dma_start3A, %dma_start3A_231, %dma_start3A_232, %dma_start3A_233] : memref<3x4x64x4096xf32, #tpu.memory_space<vmem>> -> memref<1x4x64x4096xf32, #tpu.memory_space<vmem>>
      %dma_start3A_235 = tpu.memref_squeeze %dma_start3A_234 : memref<1x4x64x4096xf32, #tpu.memory_space<vmem>> -> memref<4x64x4096xf32, #tpu.memory_space<vmem>>
      %dma_start3A_236 = arith.constant 0 : i32
      %dma_start3A_237 = arith.constant 0 : i32
      %dma_start3A_238 = arith.constant 0 : i32
      %dma_start3A_239 = tpu.memref_slice %arg1[%dma_start3A_236, %dma_start3A_237, %dma_start3A_238] : memref<16x64x4096xf32, #tpu.memory_space<any>> -> memref<4x64x4096xf32, #tpu.memory_space<any>>
      tpu.enqueue_dma source(%dma_start3A_239 : memref<4x64x4096xf32, #tpu.memory_space<any>>) target(%dma_start3A_235 : memref<4x64x4096xf32, #tpu.memory_space<vmem>>) target_semaphore(%dma_start3A_230 : memref<!tpu.dma_semaphore, #tpu.memory_space<semaphore_mem>>)
      %dma_start3A_240 = arith.constant 1 : i32
      %dma_start3A_241 = arith.constant 1 : i32
      %dma_start3A_242 = tpu.memref_slice %arg8[%dma_start3A_241] : memref<3x!tpu.dma_semaphore, #tpu.memory_space<semaphore_mem>> -> memref<1x!tpu.dma_semaphore, #tpu.memory_space<semaphore_mem>>
      %dma_start3A_243 = tpu.memref_squeeze %dma_start3A_242 : memref<1x!tpu.dma_semaphore, #tpu.memory_space<semaphore_mem>> -> memref<!tpu.dma_semaphore, #tpu.memory_space<semaphore_mem>>
      %dma_start3A_244 = arith.constant 0 : i32
      %dma_start3A_245 = arith.constant 0 : i32
      %dma_start3A_246 = arith.constant 0 : i32
      %dma_start3A_247 = tpu.memref_slice %arg7[%dma_start3A_240, %dma_start3A_244, %dma_start3A_245, %dma_start3A_246] : memref<3x4x64x4096xf32, #tpu.memory_space<vmem>> -> memref<1x4x64x4096xf32, #tpu.memory_space<vmem>>
      %dma_start3A_248 = tpu.memref_squeeze %dma_start3A_247 : memref<1x4x64x4096xf32, #tpu.memory_space<vmem>> -> memref<4x64x4096xf32, #tpu.memory_space<vmem>>
      %dma_start3A_249 = arith.constant 4 : i32
      %dma_start3A_250 = arith.constant 0 : i32
      %dma_start3A_251 = arith.constant 0 : i32
      %dma_start3A_252 = tpu.memref_slice %arg1[%dma_start3A_249, %dma_start3A_250, %dma_start3A_251] : memref<16x64x4096xf32, #tpu.memory_space<any>> -> memref<4x64x4096xf32, #tpu.memory_space<any>>
      tpu.enqueue_dma source(%dma_start3A_252 : memref<4x64x4096xf32, #tpu.memory_space<any>>) target(%dma_start3A_248 : memref<4x64x4096xf32, #tpu.memory_space<vmem>>) target_semaphore(%dma_start3A_243 : memref<!tpu.dma_semaphore, #tpu.memory_space<semaphore_mem>>)
    } else {
    }
    %add3A = arith.constant 3 : i32
    %add3A_2 = arith.addi %arg0, %add3A : i32
    %sub3A = arith.constant 1 : i32
    %sub3A_3 = arith.subi %add3A_2, %sub3A : i32
    %lt3A = arith.constant 4 : i32
    %lt3A_4 = arith.cmpi slt, %sub3A_3, %lt3A : i32
    %convert_element_type3A_5 = arith.extui %lt3A_4 : i1 to i32
    %cond3A_6 = arith.constant 0 : i32
    %cond3A_7 = arith.cmpi ne, %convert_element_type3A_5, %cond3A_6 : i32
    scf.if %cond3A_7 {
      %add3A_228 = arith.constant 3 : i32
      %add3A_229 = arith.addi %arg0, %add3A_228 : i32
      %sub3A_230 = arith.constant 1 : i32
      %sub3A_231 = arith.subi %add3A_229, %sub3A_230 : i32
      %mul3A_232 = arith.constant 4 : i32
      %mul3A_233 = arith.muli %sub3A_231, %mul3A_232 : i32
      %jit3A_234 = arith.constant 3 : i32
      %eq3A_235 = arith.constant 0 : i32
      %eq3A_236 = arith.cmpi eq, %jit3A_234, %eq3A_235 : i32
      %jit3A_237 = arith.constant 1 : i32
      %select_n3A_238 = arith.select %eq3A_236, %jit3A_237, %jit3A_234 : i32
      %rem3A_239 = arith.remsi %sub3A_231, %select_n3A_238 : i32
      %ne3A_240 = arith.constant 0 : i32
      %ne3A_241 = arith.cmpi ne, %rem3A_239, %ne3A_240 : i32
      %lt3A_242 = arith.constant 0 : i32
      %lt3A_243 = arith.cmpi slt, %rem3A_239, %lt3A_242 : i32
      %lt3A_244 = arith.constant 0 : i32
      %lt3A_245 = arith.cmpi slt, %select_n3A_238, %lt3A_244 : i32
      %ne3A_246 = arith.xori %lt3A_243, %lt3A_245 : i1
      %and3A_247 = arith.andi %ne3A_246, %ne3A_241 : i1
      %add3A_248 = arith.addi %rem3A_239, %select_n3A_238 : i32
      %select_n3A_249 = arith.select %and3A_247, %add3A_248, %rem3A_239 : i32
      %jit3A_250 = arith.constant 3 : i32
      %eq3A_251 = arith.constant 0 : i32
      %eq3A_252 = arith.cmpi eq, %jit3A_250, %eq3A_251 : i32
      %jit3A_253 = arith.constant 1 : i32
      %select_n3A_254 = arith.select %eq3A_252, %jit3A_253, %jit3A_250 : i32
      %rem3A_255 = arith.remsi %sub3A_231, %select_n3A_254 : i32
      %ne3A_256 = arith.constant 0 : i32
      %ne3A_257 = arith.cmpi ne, %rem3A_255, %ne3A_256 : i32
      %lt3A_258 = arith.constant 0 : i32
      %lt3A_259 = arith.cmpi slt, %rem3A_255, %lt3A_258 : i32
      %lt3A_260 = arith.constant 0 : i32
      %lt3A_261 = arith.cmpi slt, %select_n3A_254, %lt3A_260 : i32
      %ne3A_262 = arith.xori %lt3A_259, %lt3A_261 : i1
      %and3A_263 = arith.andi %ne3A_262, %ne3A_257 : i1
      %add3A_264 = arith.addi %rem3A_255, %select_n3A_254 : i32
      %select_n3A_265 = arith.select %and3A_263, %add3A_264, %rem3A_255 : i32
      %dma_start3A = tpu.memref_slice %arg8[%select_n3A_265] : memref<3x!tpu.dma_semaphore, #tpu.memory_space<semaphore_mem>> -> memref<1x!tpu.dma_semaphore, #tpu.memory_space<semaphore_mem>>
      %dma_start3A_266 = tpu.memref_squeeze %dma_start3A : memref<1x!tpu.dma_semaphore, #tpu.memory_space<semaphore_mem>> -> memref<!tpu.dma_semaphore, #tpu.memory_space<semaphore_mem>>
      %dma_start3A_267 = arith.constant 0 : i32
      %dma_start3A_268 = arith.constant 0 : i32
      %dma_start3A_269 = arith.constant 0 : i32
      %dma_start3A_270 = tpu.memref_slice %arg7[%select_n3A_249, %dma_start3A_267, %dma_start3A_268, %dma_start3A_269] : memref<3x4x64x4096xf32, #tpu.memory_space<vmem>> -> memref<1x4x64x4096xf32, #tpu.memory_space<vmem>>
      %dma_start3A_271 = tpu.memref_squeeze %dma_start3A_270 : memref<1x4x64x4096xf32, #tpu.memory_space<vmem>> -> memref<4x64x4096xf32, #tpu.memory_space<vmem>>
      %dma_start3A_272 = arith.constant 0 : i32
      %dma_start3A_273 = arith.constant 0 : i32
      %dma_start3A_274 = tpu.memref_slice %arg1[%mul3A_233, %dma_start3A_272, %dma_start3A_273] : memref<16x64x4096xf32, #tpu.memory_space<any>> -> memref<4x64x4096xf32, #tpu.memory_space<any>>
      tpu.enqueue_dma source(%dma_start3A_274 : memref<4x64x4096xf32, #tpu.memory_space<any>>) target(%dma_start3A_271 : memref<4x64x4096xf32, #tpu.memory_space<vmem>>) target_semaphore(%dma_start3A_266 : memref<!tpu.dma_semaphore, #tpu.memory_space<semaphore_mem>>)
    } else {
    }
    %mul3A = arith.constant 4 : i32
    %mul3A_8 = arith.muli %arg0, %mul3A : i32
    %jit3A = arith.constant 3 : i32
    %eq3A_9 = arith.constant 0 : i32
    %eq3A_10 = arith.cmpi eq, %jit3A, %eq3A_9 : i32
    %jit3A_11 = arith.constant 1 : i32
    %select_n3A = arith.select %eq3A_10, %jit3A_11, %jit3A : i32
    %rem3A = arith.remsi %arg0, %select_n3A : i32
    %ne3A = arith.constant 0 : i32
    %ne3A_12 = arith.cmpi ne, %rem3A, %ne3A : i32
    %lt3A_13 = arith.constant 0 : i32
    %lt3A_14 = arith.cmpi slt, %rem3A, %lt3A_13 : i32
    %lt3A_15 = arith.constant 0 : i32
    %lt3A_16 = arith.cmpi slt, %select_n3A, %lt3A_15 : i32
    %ne3A_17 = arith.xori %lt3A_14, %lt3A_16 : i1
    %and3A = arith.andi %ne3A_17, %ne3A_12 : i1
    %add3A_18 = arith.addi %rem3A, %select_n3A : i32
    %select_n3A_19 = arith.select %and3A, %add3A_18, %rem3A : i32
    %jit3A_20 = arith.constant 3 : i32
    %eq3A_21 = arith.constant 0 : i32
    %eq3A_22 = arith.cmpi eq, %jit3A_20, %eq3A_21 : i32
    %jit3A_23 = arith.constant 1 : i32
    %select_n3A_24 = arith.select %eq3A_22, %jit3A_23, %jit3A_20 : i32
    %rem3A_25 = arith.remsi %arg0, %select_n3A_24 : i32
    %ne3A_26 = arith.constant 0 : i32
    %ne3A_27 = arith.cmpi ne, %rem3A_25, %ne3A_26 : i32
    %lt3A_28 = arith.constant 0 : i32
    %lt3A_29 = arith.cmpi slt, %rem3A_25, %lt3A_28 : i32
    %lt3A_30 = arith.constant 0 : i32
    %lt3A_31 = arith.cmpi slt, %select_n3A_24, %lt3A_30 : i32
    %ne3A_32 = arith.xori %lt3A_29, %lt3A_31 : i1
    %and3A_33 = arith.andi %ne3A_32, %ne3A_27 : i1
    %add3A_34 = arith.addi %rem3A_25, %select_n3A_24 : i32
    %select_n3A_35 = arith.select %and3A_33, %add3A_34, %rem3A_25 : i32
    %dma_wait3A = tpu.memref_slice %arg8[%select_n3A_35] : memref<3x!tpu.dma_semaphore, #tpu.memory_space<semaphore_mem>> -> memref<1x!tpu.dma_semaphore, #tpu.memory_space<semaphore_mem>>
    %dma_wait3A_36 = tpu.memref_squeeze %dma_wait3A : memref<1x!tpu.dma_semaphore, #tpu.memory_space<semaphore_mem>> -> memref<!tpu.dma_semaphore, #tpu.memory_space<semaphore_mem>>
    %dma_wait3A_37 = arith.constant 0 : i32
    %dma_wait3A_38 = arith.constant 0 : i32
    %dma_wait3A_39 = arith.constant 0 : i32
    %dma_wait3A_40 = tpu.memref_slice %arg7[%select_n3A_19, %dma_wait3A_37, %dma_wait3A_38, %dma_wait3A_39] : memref<3x4x64x4096xf32, #tpu.memory_space<vmem>> -> memref<1x4x64x4096xf32, #tpu.memory_space<vmem>>
    %dma_wait3A_41 = tpu.memref_squeeze %dma_wait3A_40 : memref<1x4x64x4096xf32, #tpu.memory_space<vmem>> -> memref<4x64x4096xf32, #tpu.memory_space<vmem>>
    %dma_wait3A_42 = arith.constant 0 : i32
    %dma_wait3A_43 = arith.constant 0 : i32
    %dma_wait3A_44 = tpu.memref_slice %arg1[%mul3A_8, %dma_wait3A_42, %dma_wait3A_43] : memref<16x64x4096xf32, #tpu.memory_space<any>> -> memref<4x64x4096xf32, #tpu.memory_space<any>>
    tpu.wait_dma2 semaphore(%dma_wait3A_36 : memref<!tpu.dma_semaphore, #tpu.memory_space<semaphore_mem>>) src(%dma_wait3A_44 : memref<4x64x4096xf32, #tpu.memory_space<any>>) dst(%dma_wait3A_41 : memref<4x64x4096xf32, #tpu.memory_space<vmem>>)
    %get3A = arith.constant 0 : index
    %get3A_45 = arith.constant 0 : index
    %get3A_46 = vector.load %arg3[%get3A, %get3A_45] : memref<1x16xf32, #tpu.memory_space<vmem>>, vector<1x16xf32>
    %reshape3A = vector.shape_cast %get3A_46 : vector<1x16xf32> to vector<16x1xf32>
    %jit3A_47 = arith.constant 3 : i32
    %eq3A_48 = arith.constant 0 : i32
    %eq3A_49 = arith.cmpi eq, %jit3A_47, %eq3A_48 : i32
    %jit3A_50 = arith.constant 1 : i32
    %select_n3A_51 = arith.select %eq3A_49, %jit3A_50, %jit3A_47 : i32
    %rem3A_52 = arith.remsi %arg0, %select_n3A_51 : i32
    %ne3A_53 = arith.constant 0 : i32
    %ne3A_54 = arith.cmpi ne, %rem3A_52, %ne3A_53 : i32
    %lt3A_55 = arith.constant 0 : i32
    %lt3A_56 = arith.cmpi slt, %rem3A_52, %lt3A_55 : i32
    %lt3A_57 = arith.constant 0 : i32
    %lt3A_58 = arith.cmpi slt, %select_n3A_51, %lt3A_57 : i32
    %ne3A_59 = arith.xori %lt3A_56, %lt3A_58 : i1
    %and3A_60 = arith.andi %ne3A_59, %ne3A_54 : i1
    %add3A_61 = arith.addi %rem3A_52, %select_n3A_51 : i32
    %select_n3A_62 = arith.select %and3A_60, %add3A_61, %rem3A_52 : i32
    %get3A_63 = arith.index_cast %select_n3A_62 : i32 to index
    %get3A_64 = arith.constant 0 : index
    %get3A_65 = arith.constant 0 : index
    %get3A_66 = arith.constant 0 : index
    %get3A_67 = vector.load %arg7[%get3A_63, %get3A_64, %get3A_65, %get3A_66] : memref<3x4x64x4096xf32, #tpu.memory_space<vmem>>, vector<1x1x64x4096xf32>
    %get3A_68 = vector.shape_cast %get3A_67 : vector<1x1x64x4096xf32> to vector<64x4096xf32>
    %get3A_69 = arith.constant 0 : index
    %get3A_70 = arith.constant 0 : index
    %get3A_71 = vector.load %arg2[%get3A_69, %get3A_70] : memref<16x64xf32, #tpu.memory_space<vmem>>, vector<16x64xf32>
    %dot_general3A = arith.constant dense<0.000000e+00> : vector<16x4096xf32>
    %dot_general3A_72 = tpu.matmul %get3A_71, %get3A_68, %dot_general3A {dimension_numbers = #tpu.dot_dimension_numbers<[1], [0], [0], [1], [0, 0, 1, 1], [], []>, transpose_lhs_hint = false} : vector<16x64xf32>, vector<64x4096xf32>, vector<16x4096xf32> -> vector<16x4096xf32>
    %add3A_73 = vector.broadcast %reshape3A : vector<16x1xf32> to vector<16x4096xf32>
    %add3A_74 = arith.addf %dot_general3A_72, %add3A_73 : vector<16x4096xf32>
    %max3A = arith.constant 0.000000e+00 : f32
    %max3A_75 = vector.broadcast %max3A : f32 to vector<16x4096xf32>
    %max3A_76 = arith.maximumf %add3A_74, %max3A_75 : vector<16x4096xf32>
    %get3A_77 = arith.constant 0 : index
    %get3A_78 = arith.constant 0 : index
    %get3A_79 = vector.load %arg4[%get3A_77, %get3A_78] : memref<1x16xf32, #tpu.memory_space<vmem>>, vector<1x16xf32>
    %dot_general3A_80 = arith.constant dense<0.000000e+00> : vector<1x4096xf32>
    %dot_general3A_81 = tpu.matmul %get3A_79, %max3A_76, %dot_general3A_80 {dimension_numbers = #tpu.dot_dimension_numbers<[1], [0], [0], [1], [0, 0, 1, 1], [], []>, transpose_lhs_hint = false} : vector<1x16xf32>, vector<16x4096xf32>, vector<1x4096xf32> -> vector<1x4096xf32>
    %get3A_82 = arith.constant 0 : index
    %get3A_83 = arith.constant 0 : index
    %get3A_84 = vector.load %arg5[%get3A_82, %get3A_83] : memref<1x1xf32, #tpu.memory_space<vmem>>, vector<1x1xf32>
    %get3A_85 = vector.extract %get3A_84[0, 0] : f32 from vector<1x1xf32>
    %add3A_86 = vector.broadcast %get3A_85 : f32 to vector<1x4096xf32>
    %add3A_87 = arith.addf %dot_general3A_81, %add3A_86 : vector<1x4096xf32>
    %reshape3A_88 = vector.shape_cast %add3A_87 : vector<1x4096xf32> to vector<4096xf32>
    %swap3A = arith.constant 0 : index
    %swap3A_89 = vector.load %arg6[%swap3A] : memref<16384xf32, #tpu.memory_space<vmem>>, vector<4096xf32>
    tpu.vector_store %arg6[%swap3A], %reshape3A_88 {strides = array<i32>} : memref<16384xf32, #tpu.memory_space<vmem>>, vector<4096xf32>,
    %jit3A_90 = arith.constant 3 : i32
    %eq3A_91 = arith.constant 0 : i32
    %eq3A_92 = arith.cmpi eq, %jit3A_90, %eq3A_91 : i32
    %jit3A_93 = arith.constant 1 : i32
    %select_n3A_94 = arith.select %eq3A_92, %jit3A_93, %jit3A_90 : i32
    %rem3A_95 = arith.remsi %arg0, %select_n3A_94 : i32
    %ne3A_96 = arith.constant 0 : i32
    %ne3A_97 = arith.cmpi ne, %rem3A_95, %ne3A_96 : i32
    %lt3A_98 = arith.constant 0 : i32
    %lt3A_99 = arith.cmpi slt, %rem3A_95, %lt3A_98 : i32
    %lt3A_100 = arith.constant 0 : i32
    %lt3A_101 = arith.cmpi slt, %select_n3A_94, %lt3A_100 : i32
    %ne3A_102 = arith.xori %lt3A_99, %lt3A_101 : i1
    %and3A_103 = arith.andi %ne3A_102, %ne3A_97 : i1
    %add3A_104 = arith.addi %rem3A_95, %select_n3A_94 : i32
    %select_n3A_105 = arith.select %and3A_103, %add3A_104, %rem3A_95 : i32
    %get3A_106 = arith.index_cast %select_n3A_105 : i32 to index
    %get3A_107 = arith.constant 1 : index
    %get3A_108 = arith.constant 0 : index
    %get3A_109 = arith.constant 0 : index
    %get3A_110 = vector.load %arg7[%get3A_106, %get3A_107, %get3A_108, %get3A_109] : memref<3x4x64x4096xf32, #tpu.memory_space<vmem>>, vector<1x1x64x4096xf32>
    %get3A_111 = vector.shape_cast %get3A_110 : vector<1x1x64x4096xf32> to vector<64x4096xf32>
    %get3A_112 = arith.constant 0 : index
    %get3A_113 = arith.constant 0 : index
    %get3A_114 = vector.load %arg2[%get3A_112, %get3A_113] : memref<16x64xf32, #tpu.memory_space<vmem>>, vector<16x64xf32>
    %dot_general3A_115 = arith.constant dense<0.000000e+00> : vector<16x4096xf32>
    %dot_general3A_116 = tpu.matmul %get3A_114, %get3A_111, %dot_general3A_115 {dimension_numbers = #tpu.dot_dimension_numbers<[1], [0], [0], [1], [0, 0, 1, 1], [], []>, transpose_lhs_hint = false} : vector<16x64xf32>, vector<64x4096xf32>, vector<16x4096xf32> -> vector<16x4096xf32>
    %add3A_117 = vector.broadcast %reshape3A : vector<16x1xf32> to vector<16x4096xf32>
    %add3A_118 = arith.addf %dot_general3A_116, %add3A_117 : vector<16x4096xf32>
    %max3A_119 = arith.constant 0.000000e+00 : f32
    %max3A_120 = vector.broadcast %max3A_119 : f32 to vector<16x4096xf32>
    %max3A_121 = arith.maximumf %add3A_118, %max3A_120 : vector<16x4096xf32>
    %get3A_122 = arith.constant 0 : index
    %get3A_123 = arith.constant 0 : index
    %get3A_124 = vector.load %arg4[%get3A_122, %get3A_123] : memref<1x16xf32, #tpu.memory_space<vmem>>, vector<1x16xf32>
    %dot_general3A_125 = arith.constant dense<0.000000e+00> : vector<1x4096xf32>
    %dot_general3A_126 = tpu.matmul %get3A_124, %max3A_121, %dot_general3A_125 {dimension_numbers = #tpu.dot_dimension_numbers<[1], [0], [0], [1], [0, 0, 1, 1], [], []>, transpose_lhs_hint = false} : vector<1x16xf32>, vector<16x4096xf32>, vector<1x4096xf32> -> vector<1x4096xf32>
    %get3A_127 = arith.constant 0 : index
    %get3A_128 = arith.constant 0 : index
    %get3A_129 = vector.load %arg5[%get3A_127, %get3A_128] : memref<1x1xf32, #tpu.memory_space<vmem>>, vector<1x1xf32>
    %get3A_130 = vector.extract %get3A_129[0, 0] : f32 from vector<1x1xf32>
    %add3A_131 = vector.broadcast %get3A_130 : f32 to vector<1x4096xf32>
    %add3A_132 = arith.addf %dot_general3A_126, %add3A_131 : vector<1x4096xf32>
    %reshape3A_133 = vector.shape_cast %add3A_132 : vector<1x4096xf32> to vector<4096xf32>
    %swap3A_134 = arith.constant 4096 : index
    %swap3A_135 = vector.load %arg6[%swap3A_134] : memref<16384xf32, #tpu.memory_space<vmem>>, vector<4096xf32>
    tpu.vector_store %arg6[%swap3A_134], %reshape3A_133 {strides = array<i32>} : memref<16384xf32, #tpu.memory_space<vmem>>, vector<4096xf32>,
    %jit3A_136 = arith.constant 3 : i32
    %eq3A_137 = arith.constant 0 : i32
    %eq3A_138 = arith.cmpi eq, %jit3A_136, %eq3A_137 : i32
    %jit3A_139 = arith.constant 1 : i32
    %select_n3A_140 = arith.select %eq3A_138, %jit3A_139, %jit3A_136 : i32
    %rem3A_141 = arith.remsi %arg0, %select_n3A_140 : i32
    %ne3A_142 = arith.constant 0 : i32
    %ne3A_143 = arith.cmpi ne, %rem3A_141, %ne3A_142 : i32
    %lt3A_144 = arith.constant 0 : i32
    %lt3A_145 = arith.cmpi slt, %rem3A_141, %lt3A_144 : i32
    %lt3A_146 = arith.constant 0 : i32
    %lt3A_147 = arith.cmpi slt, %select_n3A_140, %lt3A_146 : i32
    %ne3A_148 = arith.xori %lt3A_145, %lt3A_147 : i1
    %and3A_149 = arith.andi %ne3A_148, %ne3A_143 : i1
    %add3A_150 = arith.addi %rem3A_141, %select_n3A_140 : i32
    %select_n3A_151 = arith.select %and3A_149, %add3A_150, %rem3A_141 : i32
    %get3A_152 = arith.index_cast %select_n3A_151 : i32 to index
    %get3A_153 = arith.constant 2 : index
    %get3A_154 = arith.constant 0 : index
    %get3A_155 = arith.constant 0 : index
    %get3A_156 = vector.load %arg7[%get3A_152, %get3A_153, %get3A_154, %get3A_155] : memref<3x4x64x4096xf32, #tpu.memory_space<vmem>>, vector<1x1x64x4096xf32>
    %get3A_157 = vector.shape_cast %get3A_156 : vector<1x1x64x4096xf32> to vector<64x4096xf32>
    %get3A_158 = arith.constant 0 : index
    %get3A_159 = arith.constant 0 : index
    %get3A_160 = vector.load %arg2[%get3A_158, %get3A_159] : memref<16x64xf32, #tpu.memory_space<vmem>>, vector<16x64xf32>
    %dot_general3A_161 = arith.constant dense<0.000000e+00> : vector<16x4096xf32>
    %dot_general3A_162 = tpu.matmul %get3A_160, %get3A_157, %dot_general3A_161 {dimension_numbers = #tpu.dot_dimension_numbers<[1], [0], [0], [1], [0, 0, 1, 1], [], []>, transpose_lhs_hint = false} : vector<16x64xf32>, vector<64x4096xf32>, vector<16x4096xf32> -> vector<16x4096xf32>
    %add3A_163 = vector.broadcast %reshape3A : vector<16x1xf32> to vector<16x4096xf32>
    %add3A_164 = arith.addf %dot_general3A_162, %add3A_163 : vector<16x4096xf32>
    %max3A_165 = arith.constant 0.000000e+00 : f32
    %max3A_166 = vector.broadcast %max3A_165 : f32 to vector<16x4096xf32>
    %max3A_167 = arith.maximumf %add3A_164, %max3A_166 : vector<16x4096xf32>
    %get3A_168 = arith.constant 0 : index
    %get3A_169 = arith.constant 0 : index
    %get3A_170 = vector.load %arg4[%get3A_168, %get3A_169] : memref<1x16xf32, #tpu.memory_space<vmem>>, vector<1x16xf32>
    %dot_general3A_171 = arith.constant dense<0.000000e+00> : vector<1x4096xf32>
    %dot_general3A_172 = tpu.matmul %get3A_170, %max3A_167, %dot_general3A_171 {dimension_numbers = #tpu.dot_dimension_numbers<[1], [0], [0], [1], [0, 0, 1, 1], [], []>, transpose_lhs_hint = false} : vector<1x16xf32>, vector<16x4096xf32>, vector<1x4096xf32> -> vector<1x4096xf32>
    %get3A_173 = arith.constant 0 : index
    %get3A_174 = arith.constant 0 : index
    %get3A_175 = vector.load %arg5[%get3A_173, %get3A_174] : memref<1x1xf32, #tpu.memory_space<vmem>>, vector<1x1xf32>
    %get3A_176 = vector.extract %get3A_175[0, 0] : f32 from vector<1x1xf32>
    %add3A_177 = vector.broadcast %get3A_176 : f32 to vector<1x4096xf32>
    %add3A_178 = arith.addf %dot_general3A_172, %add3A_177 : vector<1x4096xf32>
    %reshape3A_179 = vector.shape_cast %add3A_178 : vector<1x4096xf32> to vector<4096xf32>
    %swap3A_180 = arith.constant 8192 : index
    %swap3A_181 = vector.load %arg6[%swap3A_180] : memref<16384xf32, #tpu.memory_space<vmem>>, vector<4096xf32>
    tpu.vector_store %arg6[%swap3A_180], %reshape3A_179 {strides = array<i32>} : memref<16384xf32, #tpu.memory_space<vmem>>, vector<4096xf32>,
    %jit3A_182 = arith.constant 3 : i32
    %eq3A_183 = arith.constant 0 : i32
    %eq3A_184 = arith.cmpi eq, %jit3A_182, %eq3A_183 : i32
    %jit3A_185 = arith.constant 1 : i32
    %select_n3A_186 = arith.select %eq3A_184, %jit3A_185, %jit3A_182 : i32
    %rem3A_187 = arith.remsi %arg0, %select_n3A_186 : i32
    %ne3A_188 = arith.constant 0 : i32
    %ne3A_189 = arith.cmpi ne, %rem3A_187, %ne3A_188 : i32
    %lt3A_190 = arith.constant 0 : i32
    %lt3A_191 = arith.cmpi slt, %rem3A_187, %lt3A_190 : i32
    %lt3A_192 = arith.constant 0 : i32
    %lt3A_193 = arith.cmpi slt, %select_n3A_186, %lt3A_192 : i32
    %ne3A_194 = arith.xori %lt3A_191, %lt3A_193 : i1
    %and3A_195 = arith.andi %ne3A_194, %ne3A_189 : i1
    %add3A_196 = arith.addi %rem3A_187, %select_n3A_186 : i32
    %select_n3A_197 = arith.select %and3A_195, %add3A_196, %rem3A_187 : i32
    %get3A_198 = arith.index_cast %select_n3A_197 : i32 to index
    %get3A_199 = arith.constant 3 : index
    %get3A_200 = arith.constant 0 : index
    %get3A_201 = arith.constant 0 : index
    %get3A_202 = vector.load %arg7[%get3A_198, %get3A_199, %get3A_200, %get3A_201] : memref<3x4x64x4096xf32, #tpu.memory_space<vmem>>, vector<1x1x64x4096xf32>
    %get3A_203 = vector.shape_cast %get3A_202 : vector<1x1x64x4096xf32> to vector<64x4096xf32>
    %get3A_204 = arith.constant 0 : index
    %get3A_205 = arith.constant 0 : index
    %get3A_206 = vector.load %arg2[%get3A_204, %get3A_205] : memref<16x64xf32, #tpu.memory_space<vmem>>, vector<16x64xf32>
    %dot_general3A_207 = arith.constant dense<0.000000e+00> : vector<16x4096xf32>
    %dot_general3A_208 = tpu.matmul %get3A_206, %get3A_203, %dot_general3A_207 {dimension_numbers = #tpu.dot_dimension_numbers<[1], [0], [0], [1], [0, 0, 1, 1], [], []>, transpose_lhs_hint = false} : vector<16x64xf32>, vector<64x4096xf32>, vector<16x4096xf32> -> vector<16x4096xf32>
    %add3A_209 = vector.broadcast %reshape3A : vector<16x1xf32> to vector<16x4096xf32>
    %add3A_210 = arith.addf %dot_general3A_208, %add3A_209 : vector<16x4096xf32>
    %max3A_211 = arith.constant 0.000000e+00 : f32
    %max3A_212 = vector.broadcast %max3A_211 : f32 to vector<16x4096xf32>
    %max3A_213 = arith.maximumf %add3A_210, %max3A_212 : vector<16x4096xf32>
    %get3A_214 = arith.constant 0 : index
    %get3A_215 = arith.constant 0 : index
    %get3A_216 = vector.load %arg4[%get3A_214, %get3A_215] : memref<1x16xf32, #tpu.memory_space<vmem>>, vector<1x16xf32>
    %dot_general3A_217 = arith.constant dense<0.000000e+00> : vector<1x4096xf32>
    %dot_general3A_218 = tpu.matmul %get3A_216, %max3A_213, %dot_general3A_217 {dimension_numbers = #tpu.dot_dimension_numbers<[1], [0], [0], [1], [0, 0, 1, 1], [], []>, transpose_lhs_hint = false} : vector<1x16xf32>, vector<16x4096xf32>, vector<1x4096xf32> -> vector<1x4096xf32>
    %get3A_219 = arith.constant 0 : index
    %get3A_220 = arith.constant 0 : index
    %get3A_221 = vector.load %arg5[%get3A_219, %get3A_220] : memref<1x1xf32, #tpu.memory_space<vmem>>, vector<1x1xf32>
    %get3A_222 = vector.extract %get3A_221[0, 0] : f32 from vector<1x1xf32>
    %add3A_223 = vector.broadcast %get3A_222 : f32 to vector<1x4096xf32>
    %add3A_224 = arith.addf %dot_general3A_218, %add3A_223 : vector<1x4096xf32>
    %reshape3A_225 = vector.shape_cast %add3A_224 : vector<1x4096xf32> to vector<4096xf32>
    %swap3A_226 = arith.constant 12288 : index
    %swap3A_227 = vector.load %arg6[%swap3A_226] : memref<16384xf32, #tpu.memory_space<vmem>>, vector<4096xf32>
    tpu.vector_store %arg6[%swap3A_226], %reshape3A_225 {strides = array<i32>} : memref<16384xf32, #tpu.memory_space<vmem>>, vector<4096xf32>,
    return
  }
  func.func @transform_1(%arg0: i32) -> (i32, i32) {
    %c0_i32 = arith.constant 0 : i32
    %c0_i32_0 = arith.constant 0 : i32
    %c0_i32_1 = arith.constant 0 : i32
    return %c0_i32, %c0_i32_0 : i32, i32
  }
  func.func @transform_2(%arg0: i32) -> (i32, i32) {
    %c0_i32 = arith.constant 0 : i32
    %c0_i32_0 = arith.constant 0 : i32
    %c0_i32_1 = arith.constant 0 : i32
    return %c0_i32, %c0_i32_0 : i32, i32
  }
  func.func @transform_3(%arg0: i32) -> (i32, i32) {
    %c0_i32 = arith.constant 0 : i32
    %c0_i32_0 = arith.constant 0 : i32
    %c0_i32_1 = arith.constant 0 : i32
    return %c0_i32, %c0_i32_0 : i32, i32
  }
  func.func @transform_4(%arg0: i32) -> (i32, i32) {
    %c0_i32 = arith.constant 0 : i32
    %c0_i32_0 = arith.constant 0 : i32
    %c0_i32_1 = arith.constant 0 : i32
    return %c0_i32, %c0_i32_0 : i32, i32
  }
  func.func @transform_5(%arg0: i32) -> i32 {
    %c0_i32 = arith.constant 0 : i32
    return %arg0 : i32
  }
}

</mosaic_0001>

<sc_bundles>
// kernel: kernel.4.cloned.1.call-start
scs
__scs_entry_jumppad:
0x0: {  	(pc) =	sbr.rel $0x88, $3  }
0x1: {  	(tag) =	ssettag $0x0;
	lr =	simm.s32 $0x1  }
0x2: {  	[smem:$0x3F9B] =	sst lr;
	_ =	strace $0xD0000000  }
0x3: {  	_ = 	snop  }
0x4: {  	_ = 	snop  }
0x5: {  	_ = 	snop  }
0x6: {  	_ = 	snop  }
0x7: {  	_ = 	snop  }
__scs_overlays_trampoline_lowered:
0x8: {  	[smem:$0x3FAA] =	sst s0  }
0x9: {  	[smem:$0x3FAB] =	sst s1  }
0xa: {  	[smem:$0x3FAC] =	sst s2  }
0xb: {  	[smem:$0x3FAD] =	sst s3  }
0xc: {  	[smem:$0x3FAE] =	sst s4  }
0xd: {  	[smem:$0x3FAF] =	sst s5  }
0xe: {  	[smem:$0x3FB0] =	sst s6  }
0xf: {  	[smem:$0x3FB1] =	sst s7  }
0x10: {  	[smem:$0x3FB2] =	sst s8  }
0x11: {  	[smem:$0x3FB3] =	sst s9;
	s0 =	simm.s32 @!p0 $0x0  }
0x12: {  	s1 =	sld [smem:$0x3F99];
	s0 =	simm.s32 @p0 $0x1  }
0x13: {  	[smem:$0x3FB4] =	sst s0;
	s0 =	simm.s32 @!p1 $0x0  }
0x14: {  	s2 =	sld [smem:$0x3F98];
	s0 =	simm.s32 @p1 $0x1  }
0x15: {  	[smem:$0x3FB5] =	sst s0;
	s0 =	simm.s32 @!p2 $0x0  }
0x16: {  	s3 =	sld [smem:$0x3FDB];
	s0 =	simm.s32 @p2 $0x1  }
0x17: {  	s4 =	simm.s32 $0x1BF5;
	[smem:$0x3FB7] =	sst s0  }
0x18: {  	s0 =	sld [smem:$0x3F9A];
	_ =	swait.ge [sflag:s4], $0x0  }
0x19: {  	s7 =	sld [smem:$0x3F9B]  }
0x1a: {  	s8 =	sadd.s32 $0xFFFFE003, lr  }
0x1b: {  	s9 =	sadd.s32 $0xFFFFFEF7, lr;
	s5 =	simm.s32 $0xFFFFFFFF;
	p2 =	slt.u32 s8, $0xFFFFF086  }
0x1c: {  	p1 =	slt.u32 s9, $0xF7A;
	s5 =	simm.s32 @!p2 $0x0  }
0x1d: {  	s5 =	simm.s32 @p1 $0x1;
	p0 =	seq.s32 s7, s2  }
0x1e: {  	s7 =	smul.u32 @!p0 $0xF7A, s2;
	p2 =	seq.s32 @!p0 s5, $0x0  }
0x1f: {  	s9 =	smul.u32 $0xF7A, s1;
	s8 =	simm.s32 @!p0 $0x1BF5;
	p2 =	por !p2, p0  }
0x20: {  	[sflag:s8] =	ssyncset.s32 @!p0 $0xFFFFF086;
	s6 =	sadd.s32 @!p0 s3, s7;
	s7 =	simm.s32 @!p0 $0x108  }
0x21: {  	s3 =	sadd.s32 s3, s9;
	s6 =	sadd.s32 @!p0 $0x88, s6;
	s7 =	simm.s32 @p2 $0x1082  }
0x22: {  	[simem:s7], [sflag:s8] =	dma.local @!p0 [hbm:s6], $0xF7A  }
0x23: {  	s9 =	sor.u32 $0xD0000000, s2;
	s6 =	simm.s32 $0x108;
	_ =	swait.ge @!p0 [sflag:s8], $0x0  }
0x24: {  	s3 =	sadd.s32 $0x88, s3;
	s6 =	simm.s32 @!p1 $0x1082;
	[sflag:s4] =	ssyncset.s32 $0xFFFFF086  }
0x25: {  	[simem:s6], [sflag:s4] =	dma.local [hbm:s3], $0xF7A  }
0x26: {  	[smem:$0x3F9B] =	sst s1;
	(tag) =	ssettag s2;
	_ =	strace s9  }
0x27: {  	s1 =	sld [smem:$0x3FAB]  }
0x28: {  	s2 =	sld [smem:$0x3FAC]  }
0x29: {  	s4 =	sld [smem:$0x3FAE]  }
0x2a: {  	p0 =	seq.s32 s5, $0x0;
	s5 =	sld [smem:$0x3FAF]  }
0x2b: {  	s6 =	sld [smem:$0x3FB0]  }
0x2c: {  	s7 =	sld [smem:$0x3FB1]  }
0x2d: {  	s3 =	simm.s32 $0x108;
	s8 =	sld [smem:$0x3FB2]  }
0x2e: {  	s3 =	simm.s32 @!p0 $0x1082;
	s9 =	sld [smem:$0x3FB3]  }
0x2f: {  	lr =	sadd.s32 s0, s3;
	s0 =	sld [smem:$0x3FAA]  }
0x30: {  	s3 =	sld [smem:$0x3FAD]  }
0x31: {  	[smem:$0x3FB6] =	sst s10  }
0x32: {  	s10 =	sld [smem:$0x3FB4];
	_ =	sdelay $0x3  }
0x33: {  	p0 =	seq.s32 s10, $0x1;
	s10 =	sld [smem:$0x3FB6];
	_ =	sdelay $0x3  }
0x34: {  	[smem:$0x3FB6] =	sst s10  }
0x35: {  	s10 =	sld [smem:$0x3FB5];
	_ =	sdelay $0x3  }
0x36: {  	p1 =	seq.s32 s10, $0x1;
	s10 =	sld [smem:$0x3FB6];
	_ =	sdelay $0x3  }
0x37: {  	[smem:$0x3FB6] =	sst s10  }
0x38: {  	s10 =	sld [smem:$0x3FB7]  }
0x39: {  	_ = 	snop;
	(pc) =	sbr.ind lr, $3  }
0x3a: {  	_ = 	snop  }
0x3b: {  	_ = 	snop  }
0x3c: {  	p2 =	seq.s32 s10, $0x1;
	s10 =	sld [smem:$0x3FB6]  }
0x3d: {  	_ =	shalt  }
0x3e: {  	_ =	shalt  }
0x3f: {  	_ =	shalt  }
0x40: {  	_ =	shalt  }
0x41: {  	_ =	shalt  }
0x42: {  	_ =	shalt  }
0x43: {  	_ =	shalt  }
0x44: {  	_ =	shalt  }
0x45: {  	_ =	shalt  }
0x46: {  	_ =	shalt  }
0x47: {  	_ =	shalt  }
0x48: {  	_ =	shalt  }
0x49: {  	_ =	shalt  }
0x4a: {  	_ =	shalt  }
0x4b: {  	_ =	shalt  }
0x4c: {  	_ =	shalt  }
0x4d: {  	_ =	shalt  }
0x4e: {  	_ =	shalt  }
0x4f: {  	_ =	shalt  }
0x50: {  	_ =	shalt  }
0x51: {  	_ =	shalt  }
0x52: {  	_ =	shalt  }
0x53: {  	_ =	shalt  }
0x54: {  	_ =	shalt  }
0x55: {  	_ =	shalt  }
0x56: {  	_ =	shalt  }
0x57: {  	_ =	shalt  }
0x58: {  	_ =	shalt  }
0x59: {  	_ =	shalt  }
0x5a: {  	_ =	shalt  }
0x5b: {  	_ =	shalt  }
0x5c: {  	_ =	shalt  }
0x5d: {  	_ =	shalt  }
0x5e: {  	_ =	shalt  }
0x5f: {  	_ =	shalt  }
0x60: {  	_ =	shalt  }
0x61: {  	_ =	shalt  }
0x62: {  	_ =	shalt  }
0x63: {  	_ =	shalt  }
0x64: {  	_ =	shalt  }
0x65: {  	_ =	shalt  }
0x66: {  	_ =	shalt  }
0x67: {  	_ =	shalt  }
0x68: {  	_ =	shalt  }
0x69: {  	_ =	shalt  }
0x6a: {  	_ =	shalt  }
0x6b: {  	_ =	shalt  }
0x6c: {  	_ =	shalt  }
0x6d: {  	_ =	shalt  }
0x6e: {  	_ =	shalt  }
0x6f: {  	_ =	shalt  }
0x70: {  	_ =	shalt  }
0x71: {  	_ =	shalt  }
0x72: {  	_ =	shalt  }
0x73: {  	_ =	shalt  }
0x74: {  	_ =	shalt  }
0x75: {  	_ =	shalt  }
0x76: {  	_ =	shalt  }
0x77: {  	_ =	shalt  }
0x78: {  	_ =	shalt  }
0x79: {  	_ =	shalt  }
0x7a: {  	_ =	shalt  }
0x7b: {  	_ =	shalt  }
0x7c: {  	_ =	shalt  }
0x7d: {  	_ =	shalt  }
0x7e: {  	_ =	shalt  }
0x7f: {  	_ =	shalt  }
0x80: {  	_ =	shalt  }
0x81: {  	_ =	shalt  }
0x82: {  	_ =	shalt  }
0x83: {  	_ =	shalt  }
0x84: {  	_ =	shalt  }
0x85: {  	_ =	shalt  }
0x86: {  	_ =	shalt  }
0x87: {  	_ =	shalt  }
.Lfunc_end0:
.L_simem_size_0:
called_computation_lowered:
.L_overlay_start_0:
0x88: {  	s0 =	sld [smem:$0x3FD9]  }
0x89: {  	s1 =	sld [smem:$0x3FFE];
	_ =	sdelay $0x3  }
0x8a: {  	s0 =	sadd.s32 s1, s0  }
0x8b: {  	[smem:$0x3FC2] =	sst s0  }
0x8c: {  	_ = 	snop  }
0x8d: {  	s0 =	sld [smem:$0x3FC8]  }
0x8e: {  	s16 =	sld [smem:$0x3FD0];
	(tm) =	ssettm $0x1  }
0x8f: {  	s2 =	sld [smem:$0x3FFB];
	_ =	sdelay $0x3  }
0x90: {  	_ =	strace s2  }
0x91: {  	s2 =	sld [smem:$0x3FFC];
	_ =	sdelay $0x3  }
0x92: {  	_ =	strace s2  }
0x93: {  	s2 =	sld [smem:$0x3FFD];
	_ =	sdelay $0x3  }
0x94: {  	_ =	strace s2  }
0x95: {  	_ =	strace $0x8FFFFFFF  }
0x96: {  	s17 =	sld [smem:$0x3FDB];
	_ =	sdelay $0x1  }
0x97: {  	s3 =	simm.s32 $_scs_section_size  }
0x98: {  	s4 =	simm.s32 $_size__tile_overlayer_lowered;
	s5 =	simm.s32 $_tile_overlayer_lowered  }
0x99: {  	s20 =	simm.s32 $0x1BFF;
	s19 =	sshll.u32 s5, $0x1;
	s2 =	sadd.s32 s3, s17  }
0x9a: {  	s6 =	simm.s32 $0x0;
	s18 =	sshll.u32 s4, $0x1;
	s4 =	sadd.s32 s19, s2  }
0x9b: {  	[timem:s6], [sflag:s20] =	dma.local [hbm:s4], s18  }
0x9c: {  	_ =	swait.ge [sflag:s20], s18  }
0x9d: {  	s3 =	ssub.s32 $0x0, s18;
	[sflag:s20] =	ssyncset.done $0x0  }
0x9e: {  	[sflag:s20] =	ssyncadd.s32 s3;
	_ =	sdelay $0x1  }
0x9f: {  	s21 =	simm.s32 $0x1B8B  }
0xa0: {  	_ =	swait.ge [sflag:s21], $0x1  }
0xa1: {  	[sflag:s21] =	ssyncset.done $0x0  }
0xa2: {  	s23 =	simm.s32 $0x1B8E;
	s22 =	sld [smem:$0x3FFE];
	[sflag:s21] =	ssyncadd.s32 $0xFFFFFFFF  }
0xa3: {  	s24 =	simm.s32 $execute0_lowered;
	[smem:$0x3FD2] =	sst s23  }
0xa4: {  	s4 =	sshll.u32 s24, $0x1;
	_ =	strace $0x80000046;
	[dreg:$0x1] =	wrdreg $0xFFFFFFFF  }
0xa5: {  	s25 =	simm.s32 $_size_execute0_lowered;
	s2 =	sadd.s32 s2, s4;
	[dreg:$0x0] =	wrdreg $0x0  }
0xa6: {  	s4 =	sshll.u32 s25, $0x1;
	[dreg:$0x2] =	wrdreg s2  }
0xa7: {  	[dreg:$0x3] =	wrdreg s4  }
0xa8: {  	[dreg:$0x4] =	wrdreg $0xC0  }
0xa9: {  	_ =	task [dreg:s6], $0x5FFFF  }
0xaa: {  	[dreg:$0x1] =	wrdreg $0xFFFFFFFF  }
0xab: {  	[dreg:$0x0] =	wrdreg $0x60  }
0xac: {  	[dreg:$0x2] =	wrdreg s22  }
0xad: {  	[dreg:$0x3] =	wrdreg s0  }
0xae: {  	[dreg:$0x4] =	wrdreg s16  }
0xaf: {  	[dreg:$0x5] =	wrdreg $0x9  }
0xb0: {  	_ =	task.clear_ibuf [dreg:s6], $0x6FFFF;
	_ =	strace $0x90000046  }
0xb1: {  	s26 =	simm.s32 $0x9;
	_ =	strace $0x80000048  }
0xb2: {  	_ =	swait.ge [sflag:s26], $0x1  }
0xb3: {  	[sflag:s26] =	ssyncadd.s32 $0xFFFFFFFF  }
0xb4: {  	_ =	strace $0x90000048  }
0xb5: {  	_ =	sfence  }
0xb6: {  	s28 =	sld [smem:$0x0];
	_ =	sdelay $0x1  }
0xb7: {  	s29 =	srdreg.scid  }
0xb8: {  	s30 =	sshll.u32 s29, $0xD;
	s31 =	sshrl.u32 s29, $0x2  }
0xb9: {  	s1 =	sand.u32 $0x1, s29;
	s2 =	sand.u32 $0x4000, s30;
	s0 =	sadd.s32 s31, s28  }
0xba: {  	s1 =	sor.u32 s2, s1;
	s0 =	sshll.u32 s0, $0x11  }
0xbb: {  	s0 =	sor.u32 s0, s1  }
0xbc: {  	s0 =	sadd.s32 $0x8F2B, s0  }
0xbd: {  	[sflag:s0] =	ssyncadd.remote.s32 $0x1  }
0xbe: {  	_ =	sfence.sel $0xFFFF  }
0xbf: {  	[dreg:$0x0] =	wrdreg $0xFFFFFFFF;
	(pc) =	sbr.abs _section_cstart, $3  }
0xc0: {  	[dreg:$0x1] =	wrdreg $0xFFFFFFFF  }
0xc1: {  	_ =	task.clear_ibuf [dreg:s6], $0x2FFFF;
	_ =	strace $0x9FFFFFFF  }
0xc2: {  	(tm) =	ssettm $0x7FFFFFFF  }
0xc3: {  	_ =	shalt  }
tec
execute0_lowered:
.L_overlay_start_1:
0x0: {  	(tag) =	ssettag $0x1  }
0x1: {  	s3 =	rddreg [dreg:$0x0]  }
0x2: {  	s4 =	rddreg [dreg:$0x1]  }
0x3: {  	s1 =	rddreg [dreg:$0x2];
	s2 =	stileid.u32  }
0x4: {  	s0 =	rddreg [dreg:$0x3];
	s5 =	simm.s32 $0x0;
	s6 =	sshll.u32 s2, $0x9  }
0x5: {  	[smem:$0x7FF] =	sst s5;
	s6 =	sadd.s32 s6, s3  }
0x6: {  	s22 =	simm.s32 $0x1;
	_ =	strace $0x80000047;
	s6 =	sadd.s32 $0x1200, s6  }
0x7: {  	[tilespmem:s5], [sflag:$0x1] =	stream.linear.gather [hbm4b:s6+s5], $0x1000, $0x38;
	[tilespmem:$0x1980] =	vst v63  }
0x8: {  	_ =	swait.ge [sflag:s22], $0x1000  }
0x9: {  	[sflag:s22] =	ssyncset.done $0x0  }
0xa: {  	s7 =	simm.s32 $0x1000;
	[sflag:s22] =	ssyncadd.s32 $0xFFFFF000  }
0xb: {  	[tilespmem:s7], [sflag:$0x1] =	stream.linear.gather [hbm4b:s4+s5], $0x80, $0x38;
	[tilespmem:$0x1980] =	vst v63  }
0xc: {  	_ =	swait.ge [sflag:s22], $0x80  }
0xd: {  	[sflag:s22] =	ssyncset.done $0x0  }
0xe: {  	[sflag:s22] =	ssyncadd.s32 $0xFFFFFF80  }
0xf: {  	v0 =	vld [tilespmem:$0x1000];
	_ =	sdelay $0x1  }
0x10: {  	s23 =	simm.s32 $0x40  }
0x11: {  	v2 =	vld [tilespmem:s23+$0xFFFFFFC0]  }
0x12: {  	v1 =	vmov s2  }
0x13: {  	s24 =	simm.s32 $0x0;
	v3 =	vld [tilespmem:s23+$0xFFFFFFD0];
	v0 =	vperm.xlane v0, v1;
	v1 =	vlaneseq.u32  }
0x14: {  	v4 =	vor.u32 s24, v1  }
0x15: {  	s25 =	simm.s32 $0x10;
	vm0 =	vlt.s32 v4, v0;
	v4 =	vld [tilespmem:s23+$0xFFFFFFE0]  }
0x16: {  	v5 =	vimm.f32 $0.0e+00;
	v6 =	vor.u32 s25, v1;
	v2 =	vnsel vm0, $0x0, v2  }
0x17: {  	s26 =	simm.s32 $0x20;
	vm0 =	vlt.s32 v6, v0;
	v2 =	vadd.f32 v2, v5;
	v5 =	vld [tilespmem:s23+$0xFFFFFFF0]  }
0x18: {  	v6 =	vor.u32 s26, v1;
	v3 =	vnsel vm0, $0x0, v3  }
0x19: {  	s28 =	simm.s32 $0x30;
	vm0 =	vlt.s32 v6, v0;
	v2 =	vadd.f32 v3, v2;
	v3 =	vld [tilespmem:s23+$0x0]  }
0x1a: {  	v6 =	vor.u32 s28, v1;
	v4 =	vnsel vm0, $0x0, v4  }
0x1b: {  	s29 =	simm.s32 $0x40;
	vm0 =	vlt.s32 v6, v0;
	v6 =	vld [tilespmem:s23+$0x10];
	v2 =	vadd.f32 v4, v2  }
0x1c: {  	v4 =	vnsel vm0, $0x0, v5;
	v5 =	vor.u32 s29, v1  }
0x1d: {  	s30 =	simm.s32 $0x50;
	v2 =	vadd.f32 v4, v2;
	vm0 =	vlt.s32 v5, v0;
	v4 =	vld [tilespmem:s23+$0x20]  }
0x1e: {  	v5 =	vor.u32 s30, v1;
	v3 =	vnsel vm0, $0x0, v3  }
0x1f: {  	s31 =	simm.s32 $0x60;
	vm0 =	vlt.s32 v5, v0;
	v7 =	vadd.f32 v3, v2;
	v2 =	vld [tilespmem:s23+$0x30]  }
0x20: {  	s3 =	sadd.s32 $0x3200, s3;
	s5 =	simm.s32 $0xC0;
	v5 =	vnsel vm0, $0x0, v6;
	v6 =	vor.u32 s31, v1  }
0x21: {  	s6 =	simm.s32 $0x70;
	s4 =	simm.s32 $0xF0;
	s7 =	simm.s32 $0x170;
	v3 =	vld [tilespmem:s5+$0xFFFFFFC0];
	vm0 =	vlt.s32 v6, v0;
	v5 =	vadd.f32 v5, v7  }
.LBB2_1:
0x22: {  	p0 =	sne.s32 s7, $0xFF0;
	v4 =	vnsel vm0, $0x0, v4;
	v6 =	vor.u32 s6, v1;
	s6 =	smov.u32 s4;
	s4 =	smov.u32 s7  }
0x23: {  	s8 =	sadd.s32 $0xFFFFFF90, s6;
	v7 =	vld [tilespmem:s5+$0xFFFFFFD0];
	v4 =	vadd.f32 v4, v5;
	vm0 =	vlt.s32 v6, v0  }
0x24: {  	v5 =	vor.u32 s8, v1;
	v2 =	vnsel vm0, $0x0, v2  }
0x25: {  	s8 =	sadd.s32 $0xFFFFFFA0, s6;
	vm0 =	vlt.s32 v5, v0;
	v5 =	vld [tilespmem:s5+$0xFFFFFFE0];
	v2 =	vadd.f32 v2, v4  }
0x26: {  	v4 =	vor.u32 s8, v1;
	v3 =	vnsel vm0, $0x0, v3  }
0x27: {  	s8 =	sadd.s32 $0xFFFFFFB0, s6;
	vm0 =	vlt.s32 v4, v0;
	v2 =	vadd.f32 v3, v2;
	v3 =	vld [tilespmem:s5+$0xFFFFFFF0]  }
0x28: {  	v6 =	vor.u32 s8, v1;
	v4 =	vnsel vm0, $0x0, v7  }
0x29: {  	s8 =	sadd.s32 $0xFFFFFFC0, s6;
	vm0 =	vlt.s32 v6, v0;
	v2 =	vadd.f32 v4, v2;
	v6 =	vld [tilespmem:s5+$0x0]  }
0x2a: {  	v4 =	vnsel vm0, $0x0, v5;
	v5 =	vor.u32 s8, v1  }
0x2b: {  	s8 =	sadd.s32 $0xFFFFFFD0, s6;
	v2 =	vadd.f32 v4, v2;
	vm0 =	vlt.s32 v5, v0;
	v5 =	vld [tilespmem:s5+$0x10]  }
0x2c: {  	v4 =	vor.u32 s8, v1;
	v3 =	vnsel vm0, $0x0, v3  }
.Ltmp0:
0x2d: {  	s8 =	sadd.s32 $0xFFFFFFE0, s6;
	vm0 =	vlt.s32 v4, v0;
	v2 =	vadd.f32 v3, v2;
	v4 =	vld [tilespmem:s5+$0x20];
	(pc) =	sbr.rel @p0 .LBB2_1-.Ltmp0, $4  }
0x2e: {  	v3 =	vnsel vm0, $0x0, v6;
	v6 =	vor.u32 s8, v1  }
0x2f: {  	s8 =	sadd.s32 $0xFFFFFFF0, s6;
	v7 =	vadd.f32 v3, v2;
	vm0 =	vlt.s32 v6, v0;
	v2 =	vld [tilespmem:s5+$0x30]  }
0x30: {  	v6 =	vor.u32 s8, v1;
	s5 =	sadd.s32 $0x80, s5;
	v5 =	vnsel vm0, $0x0, v5  }
0x31: {  	s7 =	sadd.s32 $0x80, s7;
	vm0 =	vlt.s32 v6, v0;
	v3 =	vld [tilespmem:s5+$0xFFFFFFC0];
	v5 =	vadd.f32 v5, v7  }
0x32: {  	v4 =	vnsel vm0, $0x0, v4;
	v6 =	vor.u32 s6, v1  }
0x33: {  	s21 =	sadd.s32 $0xFFFFFF90, s4;
	v7 =	vld [tilespmem:s5+$0xFFFFFFD0];
	v4 =	vadd.f32 v4, v5;
	vm7 =	vlt.s32 v6, v0  }
0x34: {  	v38 =	vor.u32 s21, v1;
	v2 =	vnsel vm7, $0x0, v2  }
0x35: {  	s22 =	sadd.s32 $0xFFFFFFA0, s4;
	v39 =	vld [tilespmem:s5+$0xFFFFFFE0];
	vm8 =	vlt.s32 v38, v0;
	v2 =	vadd.f32 v2, v4  }
0x36: {  	v40 =	vor.u32 s22, v1;
	v3 =	vnsel vm8, $0x0, v3  }
0x37: {  	s23 =	sadd.s32 $0xFFFFFFB0, s4;
	v41 =	vld [tilespmem:s5+$0xFFFFFFF0];
	vm9 =	vlt.s32 v40, v0;
	v2 =	vadd.f32 v3, v2  }
0x38: {  	v42 =	vor.u32 s23, v1;
	v4 =	vnsel vm9, $0x0, v7  }
0x39: {  	s24 =	sadd.s32 $0xFFFFFFC0, s4;
	v43 =	vld [tilespmem:s5+$0x0];
	vm10 =	vlt.s32 v42, v0;
	v2 =	vadd.f32 v4, v2  }
0x3a: {  	v44 =	vor.u32 s24, v1;
	v5 =	vnsel vm10, $0x0, v39  }
0x3b: {  	s25 =	sadd.s32 $0xFFFFFFD0, s4;
	v45 =	vld [tilespmem:s5+$0x10];
	vm11 =	vlt.s32 v44, v0;
	v2 =	vadd.f32 v5, v2  }
0x3c: {  	v46 =	vor.u32 s25, v1;
	v3 =	vnsel vm11, $0x0, v41  }
0x3d: {  	s26 =	sadd.s32 $0xFFFFFFE0, s4;
	v47 =	vld [tilespmem:s5+$0x20];
	v51 =	vimm.s32 $0xFEDCBA98;
	vm12 =	vlt.s32 v46, v0;
	v2 =	vadd.f32 v3, v2  }
0x3e: {  	v52 =	vimm.s32 $0x76543210;
	v48 =	vor.u32 s26, v1;
	v4 =	vnsel vm12, $0x0, v43  }
0x3f: {  	s28 =	sadd.s32 $0xFFFFFFF0, s4;
	v49 =	vld [tilespmem:s5+$0x30];
	v53 =	vor.u32 s4, v1;
	vm13 =	vlt.s32 v48, v0;
	v2 =	vadd.f32 v4, v2  }
0x40: {  	v56 =	vimm.s32 $0xBA98FEDC;
	v50 =	vor.u32 s28, v1;
	v5 =	vnsel vm13, $0x0, v45  }
0x41: {  	vm14 =	vlt.s32 v50, v0;
	v2 =	vadd.f32 v5, v2;
	v5 =	vunpack.c.l.s4.s8 v51  }
0x42: {  	v57 =	vimm.s32 $0x32107654;
	v6 =	vunpack.c.l.s4.s8 v52;
	v3 =	vnsel vm14, $0x0, v47  }
0x43: {  	vm15 =	vlt.s32 v53, v0;
	v2 =	vadd.f32 v3, v2;
	v54 =	vunpack.c.0.s8.s32 v5  }
0x44: {  	v55 =	vunpack.c.0.s8.s32 v6;
	v1 =	vnsel vm15, $0x0, v49;
	v3 =	vunpack.c.l.s4.s8 v57  }
0x45: {  	v1 =	vadd.f32 v1, v2;
	v0 =	vand.u32 $0xF, v54;
	v2 =	vunpack.c.l.s4.s8 v56  }
0x46: {  	v0 =	vcombine.low v0, v55  }
0x47: {  	v3 =	vunpack.c.0.s8.s32 v3;
	v2 =	vunpack.c.0.s8.s32 v2  }
0x48: {  	v0 =	vperm.xlane v1, v0  }
0x49: {  	v59 =	vimm.s32 $0xDCFE98BA;
	v60 =	vimm.s32 $0x54761032;
	v58 =	vcombine.low v3, v2  }
0x4a: {  	v2 =	vunpack.c.l.s4.s8 v59;
	v3 =	vunpack.c.l.s4.s8 v60;
	v0 =	vadd.f32 v0, v1  }
0x4b: {  	v62 =	vimm.s32 $0x67452301  }
0x4c: {  	v2 =	vunpack.c.0.s8.s32 v2;
	v3 =	vunpack.c.0.s8.s32 v3;
	v1 =	vperm.xlane v0, v58  }
0x4d: {  	v61 =	vimm.s32 $0xEFCDAB89;
	v63 =	vunpack.c.l.s4.s8 v62  }
0x4e: {  	v2 =	vcombine.low v3, v2;
	v0 =	vadd.f32 v1, v0;
	v1 =	vunpack.c.l.s4.s8 v61;
	_ =	sdelay $0x1  }
0x4f: {  	v3 =	vunpack.c.0.s8.s32 v63;
	v2 =	vperm.xlane v0, v2;
	v1 =	vunpack.c.0.s8.s32 v1;
	_ =	sdelay $0x1  }
0x50: {  	v0 =	vadd.f32 v2, v0;
	v1 =	vcombine.low v3, v1;
	_ =	sdelay $0x1  }
0x51: {  	v1 =	vperm.xlane v0, v1;
	_ =	sdelay $0x1  }
0x52: {  	v0 =	vadd.f32 v1, v0  }
0x53: {  	s29 =	sshll.u32 s2, $0x4;
	s4 =	simm.s32 $0x0  }
0x54: {  	s31 =	simm.s32 $0x1080;
	s5 =	simm.s32 $0x1;
	s30 =	sadd.s32 s3, s29;
	[tilespmem:$0x1080] =	vst v0  }
0x55: {  	[hbm4b:s30+s4] =	stream.linear.scatter [tilespmem:s31], [sflag:$0x1], $0x80, $0x38;
	[tilespmem:$0x1980] =	vst v63  }
0x56: {  	_ =	swait.ge [sflag:s5], $0x80  }
0x57: {  	[sflag:s5] =	ssyncset.done $0x0  }
0x58: {  	[sflag:s5] =	ssyncadd.s32 $0xFFFFFF80  }
0x59: {  	p0 =	sne.s32 s2, $0x0;
	[bflag:$0x0] =	sbarrier.arrive $0xFFFF  }
0x5a: {  	_ =	sfence.sel @p0 $0x180000  }
0x5b: {  	[bflag:$0x0] =	sbarrier.arrive @p0 $0xFFFF  }
0x5c: {  	_ =	strace @p0 $0x90000047  }
0x5d: {  	[bflag:$0x2] =	sbarrier.arrive @p0 $0xFFFF  }
0x5e: {  	_ =	shalt @p0  }
.LBB2_3:
0x5f: {  	s2 =	simm.s32 $0x1180  }
0x60: {  	[tilespmem:s2], [sflag:$0x1] =	stream.linear.gather [hbm4b:s3+s4], $0x800, $0x38;
	[tilespmem:$0x1980] =	vst v63  }
0x61: {  	_ =	swait.ge [sflag:s5], $0x800  }
0x62: {  	[sflag:s5] =	ssyncset.done $0x0  }
0x63: {  	[sflag:s5] =	ssyncadd.s32 $0xFFFFF800  }
0x64: {  	v0 =	vld [tilespmem:$0x1180];
	_ =	sdelay $0x1  }
0x65: {  	v1 =	vld [tilespmem:$0x1200];
	_ =	sdelay $0x1  }
0x66: {  	vm0 =	vmmov $0x1;
	v2 =	vld [tilespmem:$0x1280]  }
0x67: {  	v0 =	vnsel vm0, $0x0, v0  }
0x68: {  	vm13 =	vcmask $0x308;
	v3 =	vld [tilespmem:$0x1300];
	v0 =	vadd.f32 $0.0e+00, v0  }
0x69: {  	v1 =	vsel vm13, $0x0, v1  }
0x6a: {  	vm14 =	vcmask $0x70C;
	v50 =	vld [tilespmem:$0x1380];
	v0 =	vadd.f32 v1, v0  }
0x6b: {  	v2 =	vsel vm14, $0x0, v2  }
0x6c: {  	vm15 =	vcmask $0xB10;
	v51 =	vld [tilespmem:$0x1400];
	v0 =	vadd.f32 v2, v0  }
0x6d: {  	v3 =	vsel vm15, $0x0, v3  }
0x6e: {  	vm4 =	vcmask $0xF14;
	v52 =	vld [tilespmem:$0x1480];
	v0 =	vadd.f32 v3, v0  }
0x6f: {  	v1 =	vsel vm4, $0x0, v50  }
0x70: {  	vm5 =	vcmask $0x1318;
	v53 =	vld [tilespmem:$0x1500];
	v0 =	vadd.f32 v1, v0  }
0x71: {  	v2 =	vsel vm5, $0x0, v51  }
0x72: {  	vm6 =	vcmask $0x171C;
	v54 =	vld [tilespmem:$0x1580];
	v0 =	vadd.f32 v2, v0  }
0x73: {  	v3 =	vsel vm6, $0x0, v52  }
0x74: {  	vm7 =	vcmask $0x1B20;
	v55 =	vld [tilespmem:$0x1600];
	v0 =	vadd.f32 v3, v0  }
0x75: {  	v1 =	vsel vm7, $0x0, v53  }
0x76: {  	vm8 =	vcmask $0x1F24;
	v56 =	vld [tilespmem:$0x1680];
	v0 =	vadd.f32 v1, v0  }
0x77: {  	v2 =	vsel vm8, $0x0, v54  }
0x78: {  	vm9 =	vcmask $0x2328;
	v57 =	vld [tilespmem:$0x1700];
	v0 =	vadd.f32 v2, v0  }
0x79: {  	v3 =	vsel vm9, $0x0, v55  }
0x7a: {  	vm10 =	vcmask $0x272C;
	v58 =	vld [tilespmem:$0x1780];
	v0 =	vadd.f32 v3, v0  }
0x7b: {  	v1 =	vsel vm10, $0x0, v56  }
0x7c: {  	vm11 =	vcmask $0x2B30;
	v59 =	vld [tilespmem:$0x1800];
	v0 =	vadd.f32 v1, v0  }
0x7d: {  	v2 =	vsel vm11, $0x0, v57  }
0x7e: {  	vm12 =	vcmask $0x2F34;
	v60 =	vld [tilespmem:$0x1880];
	v0 =	vadd.f32 v2, v0  }
0x7f: {  	v3 =	vsel vm12, $0x0, v58  }
0x80: {  	v61 =	vld [tilespmem:$0x1900];
	vm13 =	vcmask $0x3338;
	v0 =	vadd.f32 v3, v0  }
0x81: {  	v1 =	vsel vm13, $0x0, v59  }
0x82: {  	vm14 =	vcmask $0x373C;
	v0 =	vadd.f32 v1, v0  }
0x83: {  	v62 =	vsel vm14, $0x0, v60  }
0x84: {  	vm15 =	vmmov $0x7fff;
	v0 =	vadd.f32 v62, v0  }
0x85: {  	v63 =	vsel vm15, $0x0, v61  }
0x86: {  	v0 =	vadd.f32 v63, v0;
	_ =	sdelay $0x1  }
0x87: {  	s31 =	simm.s32 $0x1100;
	[tilespmem:$0x1100] =	vst v0  }
0x88: {  	[hbm4b:s1+s4] =	stream.linear.scatter [tilespmem:s31], [sflag:$0x1], $0x80, $0x38;
	[tilespmem:$0x1980] =	vst v63  }
0x89: {  	_ =	swait.ge [sflag:s5], $0x80  }
0x8a: {  	[sflag:s5] =	ssyncset.done $0x0  }
0x8b: {  	[sflag:s5] =	ssyncadd.s32 $0xFFFFFF80  }
0x8c: {  	_ =	sfence.sel $0x180000  }
0x8d: {  	[bflag:$0x0] =	sbarrier.arrive $0xFFFF  }
0x8e: {  	_ =	strace $0x90000047  }
0x8f: {  	s0 =	sadd.s32 $0x100000, s0;
	[bflag:$0x2] =	sbarrier.arrive $0xFFFF  }
0x90: {  	[sflag:s0] =	ssyncadd.tile.s32 $0x1;
	_ =	shalt  }
.Lfunc_end2:
_tile_overlayer_lowered:
.L_overlay_start_2:
0x91: {  	(tag) =	ssettag $0x2  }
0x92: {  	s0 =	rddreg [dreg:$0x0];
	s2 =	stileid.u32  }
0x93: {  	s1 =	rddreg [dreg:$0x1];
	p0 =	sne.s32 s2, $0x0  }
0x94: {  	s3 =	rddreg [dreg:$0x2];
	[bflag:$0x3] =	sbarrier.arrive $0xFFFF;
	s2 =	simm.s32 @!p0 $0x1C01  }
0x95: {  	[timem:s3], [sflag:s2] =	dma.local @!p0 [hbm:s0], s1  }
0x96: {  	s0 =	simm.s32 @!p0 $0x1  }
0x97: {  	_ =	swait.ge @!p0 [sflag:s0], s1  }
0x98: {  	s1 =	ssub.s32 @!p0 $0x0, s1;
	[sflag:s0] =	ssyncset.done @!p0 $0x0  }
0x99: {  	[sflag:s0] =	ssyncadd.s32 @!p0 s1  }
0x9a: {  	[bflag:$0x3] =	sbarrier.arrive $0xFFFF  }
0x9b: {  	_ =	shalt  }

</sc_bundles>
